<compile_context>
chip_gen: v7x
topology: tpu7x:2x2x1
jax: 0.10.2.dev20260603
libtpu: 0.0.44.dev20260713+nightly
codegen_flags: <defaults>
</compile_context>

<pallas_src>
import functools

import jax
import jax.numpy as jnp
from jax import lax
from jax.experimental import pallas as pl
from jax.experimental.pallas import tpu as pltpu
from jax.experimental.pallas import tpu_sc as plsc

_NUM_CORES = 2
_NUM_SUBCORES = 16
_NUM_WORKERS = _NUM_CORES * _NUM_SUBCORES
_LANES = 16


def _sc_gather_t(tok3, weight):
    hist, nw, bw = tok3.shape
    batch = nw * bw
    d = weight.shape[1]
    tstride = bw + 1
    mesh = plsc.VectorSubcoreMesh(core_axis_name="c", subcore_axis_name="s")

    @functools.partial(
        pl.kernel,
        mesh=mesh,
        out_type=jax.ShapeDtypeStruct((hist, d, batch), jnp.float32),
        scratch_types=[
            pltpu.VMEM((hist, bw), jnp.int32),
            pltpu.VMEM((2, bw, d), jnp.float32),
            pltpu.VMEM((2, d, tstride), jnp.float32),
            pltpu.SemaphoreType.DMA((2,)),
            pltpu.SemaphoreType.DMA((2,)),
        ],
        compiler_params=pltpu.CompilerParams(
            use_tc_tiling_on_sc=False, needs_layout_passes=False
        ),
    )
    def k(tok_hbm, table_hbm, out_hbm, idx_v, rows_v, trans_v, sem_g, sem_s):
        wid = lax.axis_index("s") * _NUM_CORES + lax.axis_index("c")
        b0 = wid * bw
        pltpu.sync_copy(tok_hbm.at[:, wid], idx_v)

        def start_gather(h, b):
            pltpu.async_copy(table_hbm.at[idx_v.at[h]], rows_v.at[b], sem_g.at[b])

        def wait_gather(h, b):
            pltpu.make_async_copy(
                table_hbm.at[idx_v.at[h]], rows_v.at[b], sem_g.at[b]
            ).wait()

        iota = jnp.arange(_LANES, dtype=jnp.int32)

        def transpose(b):
            rows = rows_v.at[b]
            trans = trans_v.at[b]

            def one_row(j, carry):
                jvec = jnp.full((_LANES,), j, dtype=jnp.int32)
                for e0 in range(d // _LANES):
                    cols = e0 * _LANES + iota
                    vals = plsc.load_gather(rows, [jvec, cols])
                    plsc.store_scatter(trans, [cols, jvec], vals)
                return carry

            plsc.parallel_loop(0, bw, unroll=8)(lambda j: one_row(j, None))

        def fire_stores(h, b):
            pltpu.async_copy(
                trans_v.at[b, :, pl.ds(0, bw)],
                out_hbm.at[h, :, pl.ds(b0, bw)],
                sem_s.at[b],
            )

        def wait_stores(h, b):
            pltpu.make_async_copy(
                trans_v.at[b, :, pl.ds(0, bw)],
                out_hbm.at[h, :, pl.ds(b0, bw)],
                sem_s.at[b],
            ).wait()

        start_gather(0, 0)
        wait_gather(0, 0)
        start_gather(1, 1)
        transpose(0)
        fire_stores(0, 0)
        wait_gather(1, 1)
        start_gather(2, 0)
        transpose(1)
        fire_stores(1, 1)

        def body(h, b):
            wait_gather(h, b)
            start_gather(h + 1, 1 - b)
            wait_stores(h - 2, b)
            transpose(b)
            fire_stores(h, b)

        def pair(g, carry):
            body(2 * g, 0)
            body(2 * g + 1, 1)
            return carry

        pl.loop(1, (hist - 2) // 2)(lambda g: pair(g, None))

        body(hist - 2, (hist - 2) % 2)

        hl = hist - 1
        bl = hl % 2
        wait_gather(hl, bl)
        wait_stores(hl - 2, bl)
        transpose(bl)
        fire_stores(hl, bl)
        wait_stores(hl - 1, 1 - bl)
        wait_stores(hl, bl)

    return k(tok3, weight)


def kernel(token_ids, weight):
    hist = token_ids.shape[1]
    tok3 = token_ids.T.reshape(hist, _NUM_WORKERS, -1).astype(jnp.int32)
    out_t = _sc_gather_t(tok3, weight)
    return out_t.transpose(2, 0, 1)

# --- scband reference (transcript-rebuilt; emitter-appended) ---
"""Pipeline reference for scband-adaptive-lrembedding-61177514164238 (READ-ONLY COPY).

The authoritative reference and input builder live on the scoring server;
editing this copy changes nothing except your own understanding.
"""

import jax, jax.numpy as jnp
import numpy as np

VOCAB = 1000000
EMBED_DIM = 32
BATCH = 16384
HIST = 50

def setup_inputs(seed: int = 0) -> dict:
    key = jax.random.key(seed)
    k_idx, k_w = jax.random.split(key)
    token_ids = jax.random.randint(k_idx, (BATCH, HIST), 0, VOCAB, dtype=jnp.int64 if jax.config.jax_enable_x64 else jnp.int32)
    weight = jax.random.normal(k_w, (VOCAB, EMBED_DIM), dtype=jnp.float32)
    return {"token_ids": token_ids, "weight": weight}

def reference(token_ids, weight):
    # AdaptiveLREmbedding.forward: plain embedding lookup (grad hook only affects backward of optimizer updates)
    return jnp.take(weight, token_ids, axis=0)

if __name__ == "__main__":
    import jax
    _d = setup_inputs()
    print(jax.jit(kernel)(*tuple(_d.values())))

</pallas_src>

<mosaic_0001>
#map = affine_map<(d0, d1) -> (0, 0, 0)>
#map1 = affine_map<(d0, d1) -> (0, 0)>
module attributes {stable_mosaic.version = 14 : i64} {
  func.func @k(%arg0: i32, %arg1: i32, %arg2: memref<50x32x512xi32, #tpu.memory_space<hbm>>, %arg3: memref<1000000x32xf32, #tpu.memory_space<hbm>>, %arg4: memref<50x32x16384xf32, #tpu.memory_space<hbm>>, %arg5: memref<50x512xi32, #tpu.memory_space<vmem>>, %arg6: memref<2x512x32xf32, #tpu.memory_space<vmem>>, %arg7: memref<2x32x513xf32, #tpu.memory_space<vmem>>, %arg8: memref<2x!tpu.dma_semaphore, #tpu.memory_space<semaphore_mem>>, %arg9: memref<2x!tpu.dma_semaphore, #tpu.memory_space<semaphore_mem>>) attributes {dimension_semantics = [#tpu.dimension_semantics<core_parallel>, #tpu.dimension_semantics<subcore_parallel>], iteration_bounds = array<i64: 2, 16>, scalar_prefetch = 0 : i64, scratch_operands = 5 : i64, tpu.core_type = #tpu.core_type<sc_vector_subcore>, window_params = [{transform_indices = #map}, {transform_indices = #map1}, {transform_indices = #map}]} {
    %mul3A = arith.constant 2 : i32
    %mul3A_0 = arith.muli %arg1, %mul3A : i32
    %add3A = arith.addi %mul3A_0, %arg0 : i32
    %mul3A_1 = arith.constant 512 : i32
    %mul3A_2 = arith.muli %add3A, %mul3A_1 : i32
    "tpu.region"() ({
      %run_scoped3A = tpu.sem_alloc : memref<!tpu.dma_semaphore, #tpu.memory_space<semaphore_mem>>
      %dma_start3A_296 = arith.constant 0 : i32
      %dma_start3A_297 = arith.constant 0 : i32
      %dma_start3A_298 = tpu.memref_slice %arg2[%dma_start3A_296, %add3A, %dma_start3A_297] : memref<50x32x512xi32, #tpu.memory_space<hbm>> -> memref<50x1x512xi32, #tpu.memory_space<hbm>>
      %dma_start3A_299 = tpu.memref_squeeze %dma_start3A_298 : memref<50x1x512xi32, #tpu.memory_space<hbm>> -> memref<50x512xi32, #tpu.memory_space<hbm>>
      %dma_start3A_300 = arith.constant 0 : i32
      %dma_start3A_301 = arith.constant 0 : i32
      %dma_start3A_302 = tpu.memref_slice %arg2[%dma_start3A_300, %add3A, %dma_start3A_301] : memref<50x32x512xi32, #tpu.memory_space<hbm>> -> memref<50x1x512xi32, #tpu.memory_space<hbm>>
      %dma_start3A_303 = tpu.memref_squeeze %dma_start3A_302 : memref<50x1x512xi32, #tpu.memory_space<hbm>> -> memref<50x512xi32, #tpu.memory_space<hbm>>
      tpu.enqueue_dma source(%dma_start3A_303 : memref<50x512xi32, #tpu.memory_space<hbm>>) target(%arg5 : memref<50x512xi32, #tpu.memory_space<vmem>>) target_semaphore(%run_scoped3A : memref<!tpu.dma_semaphore, #tpu.memory_space<semaphore_mem>>)
      %dma_wait3A_304 = arith.constant 0 : i32
      %dma_wait3A_305 = arith.constant 0 : i32
      %dma_wait3A_306 = tpu.memref_slice %arg2[%dma_wait3A_304, %add3A, %dma_wait3A_305] : memref<50x32x512xi32, #tpu.memory_space<hbm>> -> memref<50x1x512xi32, #tpu.memory_space<hbm>>
      %dma_wait3A_307 = tpu.memref_squeeze %dma_wait3A_306 : memref<50x1x512xi32, #tpu.memory_space<hbm>> -> memref<50x512xi32, #tpu.memory_space<hbm>>
      %dma_wait3A_308 = arith.constant 0 : i32
      %dma_wait3A_309 = arith.constant 0 : i32
      %dma_wait3A_310 = tpu.memref_slice %arg2[%dma_wait3A_308, %add3A, %dma_wait3A_309] : memref<50x32x512xi32, #tpu.memory_space<hbm>> -> memref<50x1x512xi32, #tpu.memory_space<hbm>>
      %dma_wait3A_311 = tpu.memref_squeeze %dma_wait3A_310 : memref<50x1x512xi32, #tpu.memory_space<hbm>> -> memref<50x512xi32, #tpu.memory_space<hbm>>
      tpu.wait_dma2 semaphore(%run_scoped3A : memref<!tpu.dma_semaphore, #tpu.memory_space<semaphore_mem>>) src(%dma_wait3A_311 : memref<50x512xi32, #tpu.memory_space<hbm>>) dst(%arg5 : memref<50x512xi32, #tpu.memory_space<vmem>>)
      tpu.yield
    }) : () -> ()
    %iota3A = tpu.iota {dimensions = array<i32: 0>} : vector<16xi32>
    %dma_start3A = arith.constant 0 : i32
    %dma_start3A_3 = arith.constant 0 : i32
    %dma_start3A_4 = arith.constant 0 : i32
    %dma_start3A_5 = arith.constant 0 : i32
    %dma_start3A_6 = arith.constant 0 : i32
    %dma_start3A_7 = tpu.memref_slice %arg6[%dma_start3A_3, %dma_start3A_5, %dma_start3A_6] : memref<2x512x32xf32, #tpu.memory_space<vmem>> -> memref<1x512x32xf32, #tpu.memory_space<vmem>>
    %dma_start3A_8 = tpu.memref_squeeze %dma_start3A_7 : memref<1x512x32xf32, #tpu.memory_space<vmem>> -> memref<512x32xf32, #tpu.memory_space<vmem>>
    %dma_start3A_9 = arith.constant 0 : i32
    %dma_start3A_10 = tpu.memref_slice %arg5[%dma_start3A, %dma_start3A_9] : memref<50x512xi32, #tpu.memory_space<vmem>> -> memref<1x512xi32, #tpu.memory_space<vmem>>
    %dma_start3A_11 = tpu.memref_squeeze %dma_start3A_10 : memref<1x512xi32, #tpu.memory_space<vmem>> -> memref<512xi32, #tpu.memory_space<vmem>>
    %dma_start3A_12 = arith.constant 0 : i32
    %dma_start3A_13 = arith.constant 0 : i32
    %dma_start3A_14 = tpu.memref_slice %arg3[%dma_start3A_12, %dma_start3A_13] : memref<1000000x32xf32, #tpu.memory_space<hbm>> -> memref<1000000x32xf32, #tpu.memory_space<hbm>>
    %dma_start3A_15 = tpu.memref_slice %arg8[%dma_start3A_4] : memref<2x!tpu.dma_semaphore, #tpu.memory_space<semaphore_mem>> -> memref<1x!tpu.dma_semaphore, #tpu.memory_space<semaphore_mem>>
    %dma_start3A_16 = tpu.memref_squeeze %dma_start3A_15 : memref<1x!tpu.dma_semaphore, #tpu.memory_space<semaphore_mem>> -> memref<!tpu.dma_semaphore, #tpu.memory_space<semaphore_mem>>
    tpu.enqueue_indirect_dma source(%dma_start3A_14 : memref<1000000x32xf32, #tpu.memory_space<hbm>>) target(%dma_start3A_8 : memref<512x32xf32, #tpu.memory_space<vmem>>) offsets(%dma_start3A_11 : memref<512xi32, #tpu.memory_space<vmem>>) semaphore(%dma_start3A_16 : memref<!tpu.dma_semaphore, #tpu.memory_space<semaphore_mem>>)
    %dma_wait3A = arith.constant 0 : i32
    %dma_wait3A_17 = arith.constant 0 : i32
    %dma_wait3A_18 = arith.constant 0 : i32
    %dma_wait3A_19 = arith.constant 0 : i32
    %dma_wait3A_20 = arith.constant 0 : i32
    %dma_wait3A_21 = tpu.memref_slice %arg6[%dma_wait3A_17, %dma_wait3A_19, %dma_wait3A_20] : memref<2x512x32xf32, #tpu.memory_space<vmem>> -> memref<1x512x32xf32, #tpu.memory_space<vmem>>
    %dma_wait3A_22 = tpu.memref_squeeze %dma_wait3A_21 : memref<1x512x32xf32, #tpu.memory_space<vmem>> -> memref<512x32xf32, #tpu.memory_space<vmem>>
    %dma_wait3A_23 = arith.constant 0 : i32
    %dma_wait3A_24 = tpu.memref_slice %arg5[%dma_wait3A, %dma_wait3A_23] : memref<50x512xi32, #tpu.memory_space<vmem>> -> memref<1x512xi32, #tpu.memory_space<vmem>>
    %dma_wait3A_25 = tpu.memref_squeeze %dma_wait3A_24 : memref<1x512xi32, #tpu.memory_space<vmem>> -> memref<512xi32, #tpu.memory_space<vmem>>
    %dma_wait3A_26 = arith.constant 0 : i32
    %dma_wait3A_27 = arith.constant 0 : i32
    %dma_wait3A_28 = tpu.memref_slice %arg3[%dma_wait3A_26, %dma_wait3A_27] : memref<1000000x32xf32, #tpu.memory_space<hbm>> -> memref<1000000x32xf32, #tpu.memory_space<hbm>>
    %dma_wait3A_29 = tpu.memref_slice %arg8[%dma_wait3A_18] : memref<2x!tpu.dma_semaphore, #tpu.memory_space<semaphore_mem>> -> memref<1x!tpu.dma_semaphore, #tpu.memory_space<semaphore_mem>>
    %dma_wait3A_30 = tpu.memref_squeeze %dma_wait3A_29 : memref<1x!tpu.dma_semaphore, #tpu.memory_space<semaphore_mem>> -> memref<!tpu.dma_semaphore, #tpu.memory_space<semaphore_mem>>
    tpu.wait_indirect_dma semaphore(%dma_wait3A_30 : memref<!tpu.dma_semaphore, #tpu.memory_space<semaphore_mem>>) src(%dma_wait3A_28 : memref<1000000x32xf32, #tpu.memory_space<hbm>>) dst(%dma_wait3A_22 : memref<512x32xf32, #tpu.memory_space<vmem>>)
    %dma_start3A_31 = arith.constant 1 : i32
    %dma_start3A_32 = arith.constant 1 : i32
    %dma_start3A_33 = arith.constant 1 : i32
    %dma_start3A_34 = arith.constant 0 : i32
    %dma_start3A_35 = arith.constant 0 : i32
    %dma_start3A_36 = tpu.memref_slice %arg6[%dma_start3A_32, %dma_start3A_34, %dma_start3A_35] : memref<2x512x32xf32, #tpu.memory_space<vmem>> -> memref<1x512x32xf32, #tpu.memory_space<vmem>>
    %dma_start3A_37 = tpu.memref_squeeze %dma_start3A_36 : memref<1x512x32xf32, #tpu.memory_space<vmem>> -> memref<512x32xf32, #tpu.memory_space<vmem>>
    %dma_start3A_38 = arith.constant 0 : i32
    %dma_start3A_39 = tpu.memref_slice %arg5[%dma_start3A_31, %dma_start3A_38] : memref<50x512xi32, #tpu.memory_space<vmem>> -> memref<1x512xi32, #tpu.memory_space<vmem>>
    %dma_start3A_40 = tpu.memref_squeeze %dma_start3A_39 : memref<1x512xi32, #tpu.memory_space<vmem>> -> memref<512xi32, #tpu.memory_space<vmem>>
    %dma_start3A_41 = arith.constant 0 : i32
    %dma_start3A_42 = arith.constant 0 : i32
    %dma_start3A_43 = tpu.memref_slice %arg3[%dma_start3A_41, %dma_start3A_42] : memref<1000000x32xf32, #tpu.memory_space<hbm>> -> memref<1000000x32xf32, #tpu.memory_space<hbm>>
    %dma_start3A_44 = tpu.memref_slice %arg8[%dma_start3A_33] : memref<2x!tpu.dma_semaphore, #tpu.memory_space<semaphore_mem>> -> memref<1x!tpu.dma_semaphore, #tpu.memory_space<semaphore_mem>>
    %dma_start3A_45 = tpu.memref_squeeze %dma_start3A_44 : memref<1x!tpu.dma_semaphore, #tpu.memory_space<semaphore_mem>> -> memref<!tpu.dma_semaphore, #tpu.memory_space<semaphore_mem>>
    tpu.enqueue_indirect_dma source(%dma_start3A_43 : memref<1000000x32xf32, #tpu.memory_space<hbm>>) target(%dma_start3A_37 : memref<512x32xf32, #tpu.memory_space<vmem>>) offsets(%dma_start3A_40 : memref<512xi32, #tpu.memory_space<vmem>>) semaphore(%dma_start3A_45 : memref<!tpu.dma_semaphore, #tpu.memory_space<semaphore_mem>>)
    %parallel_loop3A = arith.constant 0 : i32
    %parallel_loop3A_46 = arith.constant 512 : i32
    %parallel_loop3A_47 = arith.constant 1 : i32
    %parallel_loop3A_48 = arith.constant 0 : i32
    %parallel_loop3A_49 = arith.constant 0 : i32
    scf.for %parallel_loop3A_296 = %parallel_loop3A to %parallel_loop3A_46 step %parallel_loop3A_47  : i32 {
      %parallel_loop3A_297 = vector.broadcast %parallel_loop3A_296 : i32 to vector<16xi32>
      %parallel_loop3A_298 = arith.constant 0 : i32
      %parallel_loop3A_299 = vector.broadcast %parallel_loop3A_298 : i32 to vector<16xi32>
      %parallel_loop3A_300 = arith.addi %parallel_loop3A_299, %iota3A : vector<16xi32>
      %parallel_loop3A_301 = arith.constant 0 : i32
      %parallel_loop3A_302 = arith.constant 0 : i32
      %parallel_loop3A_303 = tpu.memref_slice %arg6[%parallel_loop3A_48, %parallel_loop3A_301, %parallel_loop3A_302] : memref<2x512x32xf32, #tpu.memory_space<vmem>> -> memref<1x512x32xf32, #tpu.memory_space<vmem>>
      %parallel_loop3A_304 = tpu.memref_squeeze %parallel_loop3A_303 : memref<1x512x32xf32, #tpu.memory_space<vmem>> -> memref<512x32xf32, #tpu.memory_space<vmem>>
      %parallel_loop3A_305 = tpu.vector_load_idx %parallel_loop3A_304[%parallel_loop3A_297, %parallel_loop3A_300] : memref<512x32xf32, #tpu.memory_space<vmem>>[vector<16xi32>, vector<16xi32>], vector<16xf32>,
      %parallel_loop3A_306 = arith.constant 0 : i32
      %parallel_loop3A_307 = arith.constant 0 : i32
      %parallel_loop3A_308 = tpu.memref_slice %arg7[%parallel_loop3A_49, %parallel_loop3A_306, %parallel_loop3A_307] : memref<2x32x513xf32, #tpu.memory_space<vmem>> -> memref<1x32x513xf32, #tpu.memory_space<vmem>>
      %parallel_loop3A_309 = tpu.memref_squeeze %parallel_loop3A_308 : memref<1x32x513xf32, #tpu.memory_space<vmem>> -> memref<32x513xf32, #tpu.memory_space<vmem>>
      tpu.vector_store_idx %parallel_loop3A_309[%parallel_loop3A_300, %parallel_loop3A_297], %parallel_loop3A_305 : memref<32x513xf32, #tpu.memory_space<vmem>>[vector<16xi32>, vector<16xi32>], vector<16xf32>,
      %parallel_loop3A_310 = arith.constant 16 : i32
      %parallel_loop3A_311 = vector.broadcast %parallel_loop3A_310 : i32 to vector<16xi32>
      %parallel_loop3A_312 = arith.addi %parallel_loop3A_311, %iota3A : vector<16xi32>
      %parallel_loop3A_313 = arith.constant 0 : i32
      %parallel_loop3A_314 = arith.constant 0 : i32
      %parallel_loop3A_315 = tpu.memref_slice %arg6[%parallel_loop3A_48, %parallel_loop3A_313, %parallel_loop3A_314] : memref<2x512x32xf32, #tpu.memory_space<vmem>> -> memref<1x512x32xf32, #tpu.memory_space<vmem>>
      %parallel_loop3A_316 = tpu.memref_squeeze %parallel_loop3A_315 : memref<1x512x32xf32, #tpu.memory_space<vmem>> -> memref<512x32xf32, #tpu.memory_space<vmem>>
      %parallel_loop3A_317 = tpu.vector_load_idx %parallel_loop3A_316[%parallel_loop3A_297, %parallel_loop3A_312] : memref<512x32xf32, #tpu.memory_space<vmem>>[vector<16xi32>, vector<16xi32>], vector<16xf32>,
      %parallel_loop3A_318 = arith.constant 0 : i32
      %parallel_loop3A_319 = arith.constant 0 : i32
      %parallel_loop3A_320 = tpu.memref_slice %arg7[%parallel_loop3A_49, %parallel_loop3A_318, %parallel_loop3A_319] : memref<2x32x513xf32, #tpu.memory_space<vmem>> -> memref<1x32x513xf32, #tpu.memory_space<vmem>>
      %parallel_loop3A_321 = tpu.memref_squeeze %parallel_loop3A_320 : memref<1x32x513xf32, #tpu.memory_space<vmem>> -> memref<32x513xf32, #tpu.memory_space<vmem>>
      tpu.vector_store_idx %parallel_loop3A_321[%parallel_loop3A_312, %parallel_loop3A_297], %parallel_loop3A_317 : memref<32x513xf32, #tpu.memory_space<vmem>>[vector<16xi32>, vector<16xi32>], vector<16xf32>,
    } {sc.loop_unroll_factor = 8 : i64, sc.parallel_access}
    %dma_start3A_50 = arith.constant 0 : i32
    %dma_start3A_51 = arith.constant 0 : i32
    %dma_start3A_52 = arith.constant 0 : i32
    %dma_start3A_53 = arith.constant 0 : i32
    %dma_start3A_54 = arith.constant 0 : i32
    %dma_start3A_55 = tpu.memref_slice %arg7[%dma_start3A_50, %dma_start3A_53, %dma_start3A_54] : memref<2x32x513xf32, #tpu.memory_space<vmem>> -> memref<1x32x512xf32, #tpu.memory_space<vmem>>
    %dma_start3A_56 = tpu.memref_squeeze %dma_start3A_55 : memref<1x32x512xf32, #tpu.memory_space<vmem>> -> memref<32x512xf32, #tpu.memory_space<vmem>>
    %dma_start3A_57 = arith.constant 0 : i32
    %dma_start3A_58 = tpu.memref_slice %arg4[%dma_start3A_51, %dma_start3A_57, %mul3A_2] : memref<50x32x16384xf32, #tpu.memory_space<hbm>> -> memref<1x32x512xf32, #tpu.memory_space<hbm>>
    %dma_start3A_59 = tpu.memref_squeeze %dma_start3A_58 : memref<1x32x512xf32, #tpu.memory_space<hbm>> -> memref<32x512xf32, #tpu.memory_space<hbm>>
    %dma_start3A_60 = tpu.memref_slice %arg9[%dma_start3A_52] : memref<2x!tpu.dma_semaphore, #tpu.memory_space<semaphore_mem>> -> memref<1x!tpu.dma_semaphore, #tpu.memory_space<semaphore_mem>>
    %dma_start3A_61 = tpu.memref_squeeze %dma_start3A_60 : memref<1x!tpu.dma_semaphore, #tpu.memory_space<semaphore_mem>> -> memref<!tpu.dma_semaphore, #tpu.memory_space<semaphore_mem>>
    %dma_start3A_62 = arith.constant 0 : i32
    %dma_start3A_63 = tpu.memref_slice %arg4[%dma_start3A_51, %dma_start3A_62, %mul3A_2] : memref<50x32x16384xf32, #tpu.memory_space<hbm>> -> memref<1x32x512xf32, #tpu.memory_space<hbm>>
    %dma_start3A_64 = tpu.memref_squeeze %dma_start3A_63 : memref<1x32x512xf32, #tpu.memory_space<hbm>> -> memref<32x512xf32, #tpu.memory_space<hbm>>
    %dma_start3A_65 = arith.constant 0 : i32
    %dma_start3A_66 = arith.constant 0 : i32
    %dma_start3A_67 = tpu.memref_slice %arg7[%dma_start3A_50, %dma_start3A_65, %dma_start3A_66] : memref<2x32x513xf32, #tpu.memory_space<vmem>> -> memref<1x32x512xf32, #tpu.memory_space<vmem>>
    %dma_start3A_68 = tpu.memref_squeeze %dma_start3A_67 : memref<1x32x512xf32, #tpu.memory_space<vmem>> -> memref<32x512xf32, #tpu.memory_space<vmem>>
    tpu.enqueue_dma source(%dma_start3A_68 : memref<32x512xf32, #tpu.memory_space<vmem>>) target(%dma_start3A_64 : memref<32x512xf32, #tpu.memory_space<hbm>>) target_semaphore(%dma_start3A_61 : memref<!tpu.dma_semaphore, #tpu.memory_space<semaphore_mem>>)
    %dma_wait3A_69 = arith.constant 1 : i32
    %dma_wait3A_70 = arith.constant 1 : i32
    %dma_wait3A_71 = arith.constant 1 : i32
    %dma_wait3A_72 = arith.constant 0 : i32
    %dma_wait3A_73 = arith.constant 0 : i32
    %dma_wait3A_74 = tpu.memref_slice %arg6[%dma_wait3A_70, %dma_wait3A_72, %dma_wait3A_73] : memref<2x512x32xf32, #tpu.memory_space<vmem>> -> memref<1x512x32xf32, #tpu.memory_space<vmem>>
    %dma_wait3A_75 = tpu.memref_squeeze %dma_wait3A_74 : memref<1x512x32xf32, #tpu.memory_space<vmem>> -> memref<512x32xf32, #tpu.memory_space<vmem>>
    %dma_wait3A_76 = arith.constant 0 : i32
    %dma_wait3A_77 = tpu.memref_slice %arg5[%dma_wait3A_69, %dma_wait3A_76] : memref<50x512xi32, #tpu.memory_space<vmem>> -> memref<1x512xi32, #tpu.memory_space<vmem>>
    %dma_wait3A_78 = tpu.memref_squeeze %dma_wait3A_77 : memref<1x512xi32, #tpu.memory_space<vmem>> -> memref<512xi32, #tpu.memory_space<vmem>>
    %dma_wait3A_79 = arith.constant 0 : i32
    %dma_wait3A_80 = arith.constant 0 : i32
    %dma_wait3A_81 = tpu.memref_slice %arg3[%dma_wait3A_79, %dma_wait3A_80] : memref<1000000x32xf32, #tpu.memory_space<hbm>> -> memref<1000000x32xf32, #tpu.memory_space<hbm>>
    %dma_wait3A_82 = tpu.memref_slice %arg8[%dma_wait3A_71] : memref<2x!tpu.dma_semaphore, #tpu.memory_space<semaphore_mem>> -> memref<1x!tpu.dma_semaphore, #tpu.memory_space<semaphore_mem>>
    %dma_wait3A_83 = tpu.memref_squeeze %dma_wait3A_82 : memref<1x!tpu.dma_semaphore, #tpu.memory_space<semaphore_mem>> -> memref<!tpu.dma_semaphore, #tpu.memory_space<semaphore_mem>>
    tpu.wait_indirect_dma semaphore(%dma_wait3A_83 : memref<!tpu.dma_semaphore, #tpu.memory_space<semaphore_mem>>) src(%dma_wait3A_81 : memref<1000000x32xf32, #tpu.memory_space<hbm>>) dst(%dma_wait3A_75 : memref<512x32xf32, #tpu.memory_space<vmem>>)
    %dma_start3A_84 = arith.constant 2 : i32
    %dma_start3A_85 = arith.constant 0 : i32
    %dma_start3A_86 = arith.constant 0 : i32
    %dma_start3A_87 = arith.constant 0 : i32
    %dma_start3A_88 = arith.constant 0 : i32
    %dma_start3A_89 = tpu.memref_slice %arg6[%dma_start3A_85, %dma_start3A_87, %dma_start3A_88] : memref<2x512x32xf32, #tpu.memory_space<vmem>> -> memref<1x512x32xf32, #tpu.memory_space<vmem>>
    %dma_start3A_90 = tpu.memref_squeeze %dma_start3A_89 : memref<1x512x32xf32, #tpu.memory_space<vmem>> -> memref<512x32xf32, #tpu.memory_space<vmem>>
    %dma_start3A_91 = arith.constant 0 : i32
    %dma_start3A_92 = tpu.memref_slice %arg5[%dma_start3A_84, %dma_start3A_91] : memref<50x512xi32, #tpu.memory_space<vmem>> -> memref<1x512xi32, #tpu.memory_space<vmem>>
    %dma_start3A_93 = tpu.memref_squeeze %dma_start3A_92 : memref<1x512xi32, #tpu.memory_space<vmem>> -> memref<512xi32, #tpu.memory_space<vmem>>
    %dma_start3A_94 = arith.constant 0 : i32
    %dma_start3A_95 = arith.constant 0 : i32
    %dma_start3A_96 = tpu.memref_slice %arg3[%dma_start3A_94, %dma_start3A_95] : memref<1000000x32xf32, #tpu.memory_space<hbm>> -> memref<1000000x32xf32, #tpu.memory_space<hbm>>
    %dma_start3A_97 = tpu.memref_slice %arg8[%dma_start3A_86] : memref<2x!tpu.dma_semaphore, #tpu.memory_space<semaphore_mem>> -> memref<1x!tpu.dma_semaphore, #tpu.memory_space<semaphore_mem>>
    %dma_start3A_98 = tpu.memref_squeeze %dma_start3A_97 : memref<1x!tpu.dma_semaphore, #tpu.memory_space<semaphore_mem>> -> memref<!tpu.dma_semaphore, #tpu.memory_space<semaphore_mem>>
    tpu.enqueue_indirect_dma source(%dma_start3A_96 : memref<1000000x32xf32, #tpu.memory_space<hbm>>) target(%dma_start3A_90 : memref<512x32xf32, #tpu.memory_space<vmem>>) offsets(%dma_start3A_93 : memref<512xi32, #tpu.memory_space<vmem>>) semaphore(%dma_start3A_98 : memref<!tpu.dma_semaphore, #tpu.memory_space<semaphore_mem>>)
    %parallel_loop3A_99 = arith.constant 0 : i32
    %parallel_loop3A_100 = arith.constant 512 : i32
    %parallel_loop3A_101 = arith.constant 1 : i32
    %parallel_loop3A_102 = arith.constant 1 : i32
    %parallel_loop3A_103 = arith.constant 1 : i32
    scf.for %parallel_loop3A_296 = %parallel_loop3A_99 to %parallel_loop3A_100 step %parallel_loop3A_101  : i32 {
      %parallel_loop3A_297 = vector.broadcast %parallel_loop3A_296 : i32 to vector<16xi32>
      %parallel_loop3A_298 = arith.constant 0 : i32
      %parallel_loop3A_299 = vector.broadcast %parallel_loop3A_298 : i32 to vector<16xi32>
      %parallel_loop3A_300 = arith.addi %parallel_loop3A_299, %iota3A : vector<16xi32>
      %parallel_loop3A_301 = arith.constant 0 : i32
      %parallel_loop3A_302 = arith.constant 0 : i32
      %parallel_loop3A_303 = tpu.memref_slice %arg6[%parallel_loop3A_102, %parallel_loop3A_301, %parallel_loop3A_302] : memref<2x512x32xf32, #tpu.memory_space<vmem>> -> memref<1x512x32xf32, #tpu.memory_space<vmem>>
      %parallel_loop3A_304 = tpu.memref_squeeze %parallel_loop3A_303 : memref<1x512x32xf32, #tpu.memory_space<vmem>> -> memref<512x32xf32, #tpu.memory_space<vmem>>
      %parallel_loop3A_305 = tpu.vector_load_idx %parallel_loop3A_304[%parallel_loop3A_297, %parallel_loop3A_300] : memref<512x32xf32, #tpu.memory_space<vmem>>[vector<16xi32>, vector<16xi32>], vector<16xf32>,
      %parallel_loop3A_306 = arith.constant 0 : i32
      %parallel_loop3A_307 = arith.constant 0 : i32
      %parallel_loop3A_308 = tpu.memref_slice %arg7[%parallel_loop3A_103, %parallel_loop3A_306, %parallel_loop3A_307] : memref<2x32x513xf32, #tpu.memory_space<vmem>> -> memref<1x32x513xf32, #tpu.memory_space<vmem>>
      %parallel_loop3A_309 = tpu.memref_squeeze %parallel_loop3A_308 : memref<1x32x513xf32, #tpu.memory_space<vmem>> -> memref<32x513xf32, #tpu.memory_space<vmem>>
      tpu.vector_store_idx %parallel_loop3A_309[%parallel_loop3A_300, %parallel_loop3A_297], %parallel_loop3A_305 : memref<32x513xf32, #tpu.memory_space<vmem>>[vector<16xi32>, vector<16xi32>], vector<16xf32>,
      %parallel_loop3A_310 = arith.constant 16 : i32
      %parallel_loop3A_311 = vector.broadcast %parallel_loop3A_310 : i32 to vector<16xi32>
      %parallel_loop3A_312 = arith.addi %parallel_loop3A_311, %iota3A : vector<16xi32>
      %parallel_loop3A_313 = arith.constant 0 : i32
      %parallel_loop3A_314 = arith.constant 0 : i32
      %parallel_loop3A_315 = tpu.memref_slice %arg6[%parallel_loop3A_102, %parallel_loop3A_313, %parallel_loop3A_314] : memref<2x512x32xf32, #tpu.memory_space<vmem>> -> memref<1x512x32xf32, #tpu.memory_space<vmem>>
      %parallel_loop3A_316 = tpu.memref_squeeze %parallel_loop3A_315 : memref<1x512x32xf32, #tpu.memory_space<vmem>> -> memref<512x32xf32, #tpu.memory_space<vmem>>
      %parallel_loop3A_317 = tpu.vector_load_idx %parallel_loop3A_316[%parallel_loop3A_297, %parallel_loop3A_312] : memref<512x32xf32, #tpu.memory_space<vmem>>[vector<16xi32>, vector<16xi32>], vector<16xf32>,
      %parallel_loop3A_318 = arith.constant 0 : i32
      %parallel_loop3A_319 = arith.constant 0 : i32
      %parallel_loop3A_320 = tpu.memref_slice %arg7[%parallel_loop3A_103, %parallel_loop3A_318, %parallel_loop3A_319] : memref<2x32x513xf32, #tpu.memory_space<vmem>> -> memref<1x32x513xf32, #tpu.memory_space<vmem>>
      %parallel_loop3A_321 = tpu.memref_squeeze %parallel_loop3A_320 : memref<1x32x513xf32, #tpu.memory_space<vmem>> -> memref<32x513xf32, #tpu.memory_space<vmem>>
      tpu.vector_store_idx %parallel_loop3A_321[%parallel_loop3A_312, %parallel_loop3A_297], %parallel_loop3A_317 : memref<32x513xf32, #tpu.memory_space<vmem>>[vector<16xi32>, vector<16xi32>], vector<16xf32>,
    } {sc.loop_unroll_factor = 8 : i64, sc.parallel_access}
    %dma_start3A_104 = arith.constant 1 : i32
    %dma_start3A_105 = arith.constant 1 : i32
    %dma_start3A_106 = arith.constant 1 : i32
    %dma_start3A_107 = arith.constant 0 : i32
    %dma_start3A_108 = arith.constant 0 : i32
    %dma_start3A_109 = tpu.memref_slice %arg7[%dma_start3A_104, %dma_start3A_107, %dma_start3A_108] : memref<2x32x513xf32, #tpu.memory_space<vmem>> -> memref<1x32x512xf32, #tpu.memory_space<vmem>>
    %dma_start3A_110 = tpu.memref_squeeze %dma_start3A_109 : memref<1x32x512xf32, #tpu.memory_space<vmem>> -> memref<32x512xf32, #tpu.memory_space<vmem>>
    %dma_start3A_111 = arith.constant 0 : i32
    %dma_start3A_112 = tpu.memref_slice %arg4[%dma_start3A_105, %dma_start3A_111, %mul3A_2] : memref<50x32x16384xf32, #tpu.memory_space<hbm>> -> memref<1x32x512xf32, #tpu.memory_space<hbm>>
    %dma_start3A_113 = tpu.memref_squeeze %dma_start3A_112 : memref<1x32x512xf32, #tpu.memory_space<hbm>> -> memref<32x512xf32, #tpu.memory_space<hbm>>
    %dma_start3A_114 = tpu.memref_slice %arg9[%dma_start3A_106] : memref<2x!tpu.dma_semaphore, #tpu.memory_space<semaphore_mem>> -> memref<1x!tpu.dma_semaphore, #tpu.memory_space<semaphore_mem>>
    %dma_start3A_115 = tpu.memref_squeeze %dma_start3A_114 : memref<1x!tpu.dma_semaphore, #tpu.memory_space<semaphore_mem>> -> memref<!tpu.dma_semaphore, #tpu.memory_space<semaphore_mem>>
    %dma_start3A_116 = arith.constant 0 : i32
    %dma_start3A_117 = tpu.memref_slice %arg4[%dma_start3A_105, %dma_start3A_116, %mul3A_2] : memref<50x32x16384xf32, #tpu.memory_space<hbm>> -> memref<1x32x512xf32, #tpu.memory_space<hbm>>
    %dma_start3A_118 = tpu.memref_squeeze %dma_start3A_117 : memref<1x32x512xf32, #tpu.memory_space<hbm>> -> memref<32x512xf32, #tpu.memory_space<hbm>>
    %dma_start3A_119 = arith.constant 0 : i32
    %dma_start3A_120 = arith.constant 0 : i32
    %dma_start3A_121 = tpu.memref_slice %arg7[%dma_start3A_104, %dma_start3A_119, %dma_start3A_120] : memref<2x32x513xf32, #tpu.memory_space<vmem>> -> memref<1x32x512xf32, #tpu.memory_space<vmem>>
    %dma_start3A_122 = tpu.memref_squeeze %dma_start3A_121 : memref<1x32x512xf32, #tpu.memory_space<vmem>> -> memref<32x512xf32, #tpu.memory_space<vmem>>
    tpu.enqueue_dma source(%dma_start3A_122 : memref<32x512xf32, #tpu.memory_space<vmem>>) target(%dma_start3A_118 : memref<32x512xf32, #tpu.memory_space<hbm>>) target_semaphore(%dma_start3A_115 : memref<!tpu.dma_semaphore, #tpu.memory_space<semaphore_mem>>)
    %scan3A = arith.constant 0 : i32
    %scan3A_123 = arith.constant 23 : i32
    %scan3A_124 = arith.addi %scan3A, %scan3A_123 : i32
    %scan3A_125 = arith.constant 1 : i32
    scf.for %scan3A_296 = %scan3A to %scan3A_124 step %scan3A_125  : i32 {
      %mul3A_297 = arith.constant 1 : i32
      %mul3A_298 = arith.muli %scan3A_296, %mul3A_297 : i32
      %add3A_299 = arith.constant 1 : i32
      %add3A_300 = arith.addi %add3A_299, %mul3A_298 : i32
      %mul3A_301 = arith.constant 2 : i32
      %mul3A_302 = arith.muli %mul3A_301, %add3A_300 : i32
      %dma_wait3A_303 = arith.constant 0 : i32
      %dma_wait3A_304 = arith.constant 0 : i32
      %dma_wait3A_305 = arith.constant 0 : i32
      %dma_wait3A_306 = arith.constant 0 : i32
      %dma_wait3A_307 = tpu.memref_slice %arg6[%dma_wait3A_303, %dma_wait3A_305, %dma_wait3A_306] : memref<2x512x32xf32, #tpu.memory_space<vmem>> -> memref<1x512x32xf32, #tpu.memory_space<vmem>>
      %dma_wait3A_308 = tpu.memref_squeeze %dma_wait3A_307 : memref<1x512x32xf32, #tpu.memory_space<vmem>> -> memref<512x32xf32, #tpu.memory_space<vmem>>
      %dma_wait3A_309 = arith.constant 0 : i32
      %dma_wait3A_310 = tpu.memref_slice %arg5[%mul3A_302, %dma_wait3A_309] : memref<50x512xi32, #tpu.memory_space<vmem>> -> memref<1x512xi32, #tpu.memory_space<vmem>>
      %dma_wait3A_311 = tpu.memref_squeeze %dma_wait3A_310 : memref<1x512xi32, #tpu.memory_space<vmem>> -> memref<512xi32, #tpu.memory_space<vmem>>
      %dma_wait3A_312 = arith.constant 0 : i32
      %dma_wait3A_313 = arith.constant 0 : i32
      %dma_wait3A_314 = tpu.memref_slice %arg3[%dma_wait3A_312, %dma_wait3A_313] : memref<1000000x32xf32, #tpu.memory_space<hbm>> -> memref<1000000x32xf32, #tpu.memory_space<hbm>>
      %dma_wait3A_315 = tpu.memref_slice %arg8[%dma_wait3A_304] : memref<2x!tpu.dma_semaphore, #tpu.memory_space<semaphore_mem>> -> memref<1x!tpu.dma_semaphore, #tpu.memory_space<semaphore_mem>>
      %dma_wait3A_316 = tpu.memref_squeeze %dma_wait3A_315 : memref<1x!tpu.dma_semaphore, #tpu.memory_space<semaphore_mem>> -> memref<!tpu.dma_semaphore, #tpu.memory_space<semaphore_mem>>
      tpu.wait_indirect_dma semaphore(%dma_wait3A_316 : memref<!tpu.dma_semaphore, #tpu.memory_space<semaphore_mem>>) src(%dma_wait3A_314 : memref<1000000x32xf32, #tpu.memory_space<hbm>>) dst(%dma_wait3A_308 : memref<512x32xf32, #tpu.memory_space<vmem>>)
      %add3A_317 = arith.constant 1 : i32
      %add3A_318 = arith.addi %mul3A_302, %add3A_317 : i32
      %dma_start3A_319 = arith.constant 1 : i32
      %dma_start3A_320 = arith.constant 1 : i32
      %dma_start3A_321 = arith.constant 0 : i32
      %dma_start3A_322 = arith.constant 0 : i32
      %dma_start3A_323 = tpu.memref_slice %arg6[%dma_start3A_319, %dma_start3A_321, %dma_start3A_322] : memref<2x512x32xf32, #tpu.memory_space<vmem>> -> memref<1x512x32xf32, #tpu.memory_space<vmem>>
      %dma_start3A_324 = tpu.memref_squeeze %dma_start3A_323 : memref<1x512x32xf32, #tpu.memory_space<vmem>> -> memref<512x32xf32, #tpu.memory_space<vmem>>
      %dma_start3A_325 = arith.constant 0 : i32
      %dma_start3A_326 = tpu.memref_slice %arg5[%add3A_318, %dma_start3A_325] : memref<50x512xi32, #tpu.memory_space<vmem>> -> memref<1x512xi32, #tpu.memory_space<vmem>>
      %dma_start3A_327 = tpu.memref_squeeze %dma_start3A_326 : memref<1x512xi32, #tpu.memory_space<vmem>> -> memref<512xi32, #tpu.memory_space<vmem>>
      %dma_start3A_328 = arith.constant 0 : i32
      %dma_start3A_329 = arith.constant 0 : i32
      %dma_start3A_330 = tpu.memref_slice %arg3[%dma_start3A_328, %dma_start3A_329] : memref<1000000x32xf32, #tpu.memory_space<hbm>> -> memref<1000000x32xf32, #tpu.memory_space<hbm>>
      %dma_start3A_331 = tpu.memref_slice %arg8[%dma_start3A_320] : memref<2x!tpu.dma_semaphore, #tpu.memory_space<semaphore_mem>> -> memref<1x!tpu.dma_semaphore, #tpu.memory_space<semaphore_mem>>
      %dma_start3A_332 = tpu.memref_squeeze %dma_start3A_331 : memref<1x!tpu.dma_semaphore, #tpu.memory_space<semaphore_mem>> -> memref<!tpu.dma_semaphore, #tpu.memory_space<semaphore_mem>>
      tpu.enqueue_indirect_dma source(%dma_start3A_330 : memref<1000000x32xf32, #tpu.memory_space<hbm>>) target(%dma_start3A_324 : memref<512x32xf32, #tpu.memory_space<vmem>>) offsets(%dma_start3A_327 : memref<512xi32, #tpu.memory_space<vmem>>) semaphore(%dma_start3A_332 : memref<!tpu.dma_semaphore, #tpu.memory_space<semaphore_mem>>)
      %sub3A = arith.constant 2 : i32
      %sub3A_333 = arith.subi %mul3A_302, %sub3A : i32
      %dma_wait3A_334 = arith.constant 0 : i32
      %dma_wait3A_335 = arith.constant 0 : i32
      %dma_wait3A_336 = arith.constant 0 : i32
      %dma_wait3A_337 = arith.constant 0 : i32
      %dma_wait3A_338 = tpu.memref_slice %arg7[%dma_wait3A_334, %dma_wait3A_336, %dma_wait3A_337] : memref<2x32x513xf32, #tpu.memory_space<vmem>> -> memref<1x32x512xf32, #tpu.memory_space<vmem>>
      %dma_wait3A_339 = tpu.memref_squeeze %dma_wait3A_338 : memref<1x32x512xf32, #tpu.memory_space<vmem>> -> memref<32x512xf32, #tpu.memory_space<vmem>>
      %dma_wait3A_340 = arith.constant 0 : i32
      %dma_wait3A_341 = tpu.memref_slice %arg4[%sub3A_333, %dma_wait3A_340, %mul3A_2] : memref<50x32x16384xf32, #tpu.memory_space<hbm>> -> memref<1x32x512xf32, #tpu.memory_space<hbm>>
      %dma_wait3A_342 = tpu.memref_squeeze %dma_wait3A_341 : memref<1x32x512xf32, #tpu.memory_space<hbm>> -> memref<32x512xf32, #tpu.memory_space<hbm>>
      %dma_wait3A_343 = tpu.memref_slice %arg9[%dma_wait3A_335] : memref<2x!tpu.dma_semaphore, #tpu.memory_space<semaphore_mem>> -> memref<1x!tpu.dma_semaphore, #tpu.memory_space<semaphore_mem>>
      %dma_wait3A_344 = tpu.memref_squeeze %dma_wait3A_343 : memref<1x!tpu.dma_semaphore, #tpu.memory_space<semaphore_mem>> -> memref<!tpu.dma_semaphore, #tpu.memory_space<semaphore_mem>>
      %dma_wait3A_345 = arith.constant 0 : i32
      %dma_wait3A_346 = tpu.memref_slice %arg4[%sub3A_333, %dma_wait3A_345, %mul3A_2] : memref<50x32x16384xf32, #tpu.memory_space<hbm>> -> memref<1x32x512xf32, #tpu.memory_space<hbm>>
      %dma_wait3A_347 = tpu.memref_squeeze %dma_wait3A_346 : memref<1x32x512xf32, #tpu.memory_space<hbm>> -> memref<32x512xf32, #tpu.memory_space<hbm>>
      %dma_wait3A_348 = arith.constant 0 : i32
      %dma_wait3A_349 = arith.constant 0 : i32
      %dma_wait3A_350 = tpu.memref_slice %arg7[%dma_wait3A_334, %dma_wait3A_348, %dma_wait3A_349] : memref<2x32x513xf32, #tpu.memory_space<vmem>> -> memref<1x32x512xf32, #tpu.memory_space<vmem>>
      %dma_wait3A_351 = tpu.memref_squeeze %dma_wait3A_350 : memref<1x32x512xf32, #tpu.memory_space<vmem>> -> memref<32x512xf32, #tpu.memory_space<vmem>>
      tpu.wait_dma2 semaphore(%dma_wait3A_344 : memref<!tpu.dma_semaphore, #tpu.memory_space<semaphore_mem>>) src(%dma_wait3A_351 : memref<32x512xf32, #tpu.memory_space<vmem>>) dst(%dma_wait3A_347 : memref<32x512xf32, #tpu.memory_space<hbm>>)
      %parallel_loop3A_352 = arith.constant 0 : i32
      %parallel_loop3A_353 = arith.constant 512 : i32
      %parallel_loop3A_354 = arith.constant 1 : i32
      %parallel_loop3A_355 = arith.constant 0 : i32
      %parallel_loop3A_356 = arith.constant 0 : i32
      scf.for %parallel_loop3A_452 = %parallel_loop3A_352 to %parallel_loop3A_353 step %parallel_loop3A_354  : i32 {
        %parallel_loop3A_453 = vector.broadcast %parallel_loop3A_452 : i32 to vector<16xi32>
        %parallel_loop3A_454 = arith.constant 0 : i32
        %parallel_loop3A_455 = vector.broadcast %parallel_loop3A_454 : i32 to vector<16xi32>
        %parallel_loop3A_456 = arith.addi %parallel_loop3A_455, %iota3A : vector<16xi32>
        %parallel_loop3A_457 = arith.constant 0 : i32
        %parallel_loop3A_458 = arith.constant 0 : i32
        %parallel_loop3A_459 = tpu.memref_slice %arg6[%parallel_loop3A_355, %parallel_loop3A_457, %parallel_loop3A_458] : memref<2x512x32xf32, #tpu.memory_space<vmem>> -> memref<1x512x32xf32, #tpu.memory_space<vmem>>
        %parallel_loop3A_460 = tpu.memref_squeeze %parallel_loop3A_459 : memref<1x512x32xf32, #tpu.memory_space<vmem>> -> memref<512x32xf32, #tpu.memory_space<vmem>>
        %parallel_loop3A_461 = tpu.vector_load_idx %parallel_loop3A_460[%parallel_loop3A_453, %parallel_loop3A_456] : memref<512x32xf32, #tpu.memory_space<vmem>>[vector<16xi32>, vector<16xi32>], vector<16xf32>,
        %parallel_loop3A_462 = arith.constant 0 : i32
        %parallel_loop3A_463 = arith.constant 0 : i32
        %parallel_loop3A_464 = tpu.memref_slice %arg7[%parallel_loop3A_356, %parallel_loop3A_462, %parallel_loop3A_463] : memref<2x32x513xf32, #tpu.memory_space<vmem>> -> memref<1x32x513xf32, #tpu.memory_space<vmem>>
        %parallel_loop3A_465 = tpu.memref_squeeze %parallel_loop3A_464 : memref<1x32x513xf32, #tpu.memory_space<vmem>> -> memref<32x513xf32, #tpu.memory_space<vmem>>
        tpu.vector_store_idx %parallel_loop3A_465[%parallel_loop3A_456, %parallel_loop3A_453], %parallel_loop3A_461 : memref<32x513xf32, #tpu.memory_space<vmem>>[vector<16xi32>, vector<16xi32>], vector<16xf32>,
        %parallel_loop3A_466 = arith.constant 16 : i32
        %parallel_loop3A_467 = vector.broadcast %parallel_loop3A_466 : i32 to vector<16xi32>
        %parallel_loop3A_468 = arith.addi %parallel_loop3A_467, %iota3A : vector<16xi32>
        %parallel_loop3A_469 = arith.constant 0 : i32
        %parallel_loop3A_470 = arith.constant 0 : i32
        %parallel_loop3A_471 = tpu.memref_slice %arg6[%parallel_loop3A_355, %parallel_loop3A_469, %parallel_loop3A_470] : memref<2x512x32xf32, #tpu.memory_space<vmem>> -> memref<1x512x32xf32, #tpu.memory_space<vmem>>
        %parallel_loop3A_472 = tpu.memref_squeeze %parallel_loop3A_471 : memref<1x512x32xf32, #tpu.memory_space<vmem>> -> memref<512x32xf32, #tpu.memory_space<vmem>>
        %parallel_loop3A_473 = tpu.vector_load_idx %parallel_loop3A_472[%parallel_loop3A_453, %parallel_loop3A_468] : memref<512x32xf32, #tpu.memory_space<vmem>>[vector<16xi32>, vector<16xi32>], vector<16xf32>,
        %parallel_loop3A_474 = arith.constant 0 : i32
        %parallel_loop3A_475 = arith.constant 0 : i32
        %parallel_loop3A_476 = tpu.memref_slice %arg7[%parallel_loop3A_356, %parallel_loop3A_474, %parallel_loop3A_475] : memref<2x32x513xf32, #tpu.memory_space<vmem>> -> memref<1x32x513xf32, #tpu.memory_space<vmem>>
        %parallel_loop3A_477 = tpu.memref_squeeze %parallel_loop3A_476 : memref<1x32x513xf32, #tpu.memory_space<vmem>> -> memref<32x513xf32, #tpu.memory_space<vmem>>
        tpu.vector_store_idx %parallel_loop3A_477[%parallel_loop3A_468, %parallel_loop3A_453], %parallel_loop3A_473 : memref<32x513xf32, #tpu.memory_space<vmem>>[vector<16xi32>, vector<16xi32>], vector<16xf32>,
      } {sc.loop_unroll_factor = 8 : i64, sc.parallel_access}
      %dma_start3A_357 = arith.constant 0 : i32
      %dma_start3A_358 = arith.constant 0 : i32
      %dma_start3A_359 = arith.constant 0 : i32
      %dma_start3A_360 = arith.constant 0 : i32
      %dma_start3A_361 = tpu.memref_slice %arg7[%dma_start3A_357, %dma_start3A_359, %dma_start3A_360] : memref<2x32x513xf32, #tpu.memory_space<vmem>> -> memref<1x32x512xf32, #tpu.memory_space<vmem>>
      %dma_start3A_362 = tpu.memref_squeeze %dma_start3A_361 : memref<1x32x512xf32, #tpu.memory_space<vmem>> -> memref<32x512xf32, #tpu.memory_space<vmem>>
      %dma_start3A_363 = arith.constant 0 : i32
      %dma_start3A_364 = tpu.memref_slice %arg4[%mul3A_302, %dma_start3A_363, %mul3A_2] : memref<50x32x16384xf32, #tpu.memory_space<hbm>> -> memref<1x32x512xf32, #tpu.memory_space<hbm>>
      %dma_start3A_365 = tpu.memref_squeeze %dma_start3A_364 : memref<1x32x512xf32, #tpu.memory_space<hbm>> -> memref<32x512xf32, #tpu.memory_space<hbm>>
      %dma_start3A_366 = tpu.memref_slice %arg9[%dma_start3A_358] : memref<2x!tpu.dma_semaphore, #tpu.memory_space<semaphore_mem>> -> memref<1x!tpu.dma_semaphore, #tpu.memory_space<semaphore_mem>>
      %dma_start3A_367 = tpu.memref_squeeze %dma_start3A_366 : memref<1x!tpu.dma_semaphore, #tpu.memory_space<semaphore_mem>> -> memref<!tpu.dma_semaphore, #tpu.memory_space<semaphore_mem>>
      %dma_start3A_368 = arith.constant 0 : i32
      %dma_start3A_369 = tpu.memref_slice %arg4[%mul3A_302, %dma_start3A_368, %mul3A_2] : memref<50x32x16384xf32, #tpu.memory_space<hbm>> -> memref<1x32x512xf32, #tpu.memory_space<hbm>>
      %dma_start3A_370 = tpu.memref_squeeze %dma_start3A_369 : memref<1x32x512xf32, #tpu.memory_space<hbm>> -> memref<32x512xf32, #tpu.memory_space<hbm>>
      %dma_start3A_371 = arith.constant 0 : i32
      %dma_start3A_372 = arith.constant 0 : i32
      %dma_start3A_373 = tpu.memref_slice %arg7[%dma_start3A_357, %dma_start3A_371, %dma_start3A_372] : memref<2x32x513xf32, #tpu.memory_space<vmem>> -> memref<1x32x512xf32, #tpu.memory_space<vmem>>
      %dma_start3A_374 = tpu.memref_squeeze %dma_start3A_373 : memref<1x32x512xf32, #tpu.memory_space<vmem>> -> memref<32x512xf32, #tpu.memory_space<vmem>>
      tpu.enqueue_dma source(%dma_start3A_374 : memref<32x512xf32, #tpu.memory_space<vmem>>) target(%dma_start3A_370 : memref<32x512xf32, #tpu.memory_space<hbm>>) target_semaphore(%dma_start3A_367 : memref<!tpu.dma_semaphore, #tpu.memory_space<semaphore_mem>>)
      %mul3A_375 = arith.constant 2 : i32
      %mul3A_376 = arith.muli %mul3A_375, %add3A_300 : i32
      %add3A_377 = arith.constant 1 : i32
      %add3A_378 = arith.addi %mul3A_376, %add3A_377 : i32
      %dma_wait3A_379 = arith.constant 1 : i32
      %dma_wait3A_380 = arith.constant 1 : i32
      %dma_wait3A_381 = arith.constant 0 : i32
      %dma_wait3A_382 = arith.constant 0 : i32
      %dma_wait3A_383 = tpu.memref_slice %arg6[%dma_wait3A_379, %dma_wait3A_381, %dma_wait3A_382] : memref<2x512x32xf32, #tpu.memory_space<vmem>> -> memref<1x512x32xf32, #tpu.memory_space<vmem>>
      %dma_wait3A_384 = tpu.memref_squeeze %dma_wait3A_383 : memref<1x512x32xf32, #tpu.memory_space<vmem>> -> memref<512x32xf32, #tpu.memory_space<vmem>>
      %dma_wait3A_385 = arith.constant 0 : i32
      %dma_wait3A_386 = tpu.memref_slice %arg5[%add3A_378, %dma_wait3A_385] : memref<50x512xi32, #tpu.memory_space<vmem>> -> memref<1x512xi32, #tpu.memory_space<vmem>>
      %dma_wait3A_387 = tpu.memref_squeeze %dma_wait3A_386 : memref<1x512xi32, #tpu.memory_space<vmem>> -> memref<512xi32, #tpu.memory_space<vmem>>
      %dma_wait3A_388 = arith.constant 0 : i32
      %dma_wait3A_389 = arith.constant 0 : i32
      %dma_wait3A_390 = tpu.memref_slice %arg3[%dma_wait3A_388, %dma_wait3A_389] : memref<1000000x32xf32, #tpu.memory_space<hbm>> -> memref<1000000x32xf32, #tpu.memory_space<hbm>>
      %dma_wait3A_391 = tpu.memref_slice %arg8[%dma_wait3A_380] : memref<2x!tpu.dma_semaphore, #tpu.memory_space<semaphore_mem>> -> memref<1x!tpu.dma_semaphore, #tpu.memory_space<semaphore_mem>>
      %dma_wait3A_392 = tpu.memref_squeeze %dma_wait3A_391 : memref<1x!tpu.dma_semaphore, #tpu.memory_space<semaphore_mem>> -> memref<!tpu.dma_semaphore, #tpu.memory_space<semaphore_mem>>
      tpu.wait_indirect_dma semaphore(%dma_wait3A_392 : memref<!tpu.dma_semaphore, #tpu.memory_space<semaphore_mem>>) src(%dma_wait3A_390 : memref<1000000x32xf32, #tpu.memory_space<hbm>>) dst(%dma_wait3A_384 : memref<512x32xf32, #tpu.memory_space<vmem>>)
      %add3A_393 = arith.constant 1 : i32
      %add3A_394 = arith.addi %add3A_378, %add3A_393 : i32
      %dma_start3A_395 = arith.constant 0 : i32
      %dma_start3A_396 = arith.constant 0 : i32
      %dma_start3A_397 = arith.constant 0 : i32
      %dma_start3A_398 = arith.constant 0 : i32
      %dma_start3A_399 = tpu.memref_slice %arg6[%dma_start3A_395, %dma_start3A_397, %dma_start3A_398] : memref<2x512x32xf32, #tpu.memory_space<vmem>> -> memref<1x512x32xf32, #tpu.memory_space<vmem>>
      %dma_start3A_400 = tpu.memref_squeeze %dma_start3A_399 : memref<1x512x32xf32, #tpu.memory_space<vmem>> -> memref<512x32xf32, #tpu.memory_space<vmem>>
      %dma_start3A_401 = arith.constant 0 : i32
      %dma_start3A_402 = tpu.memref_slice %arg5[%add3A_394, %dma_start3A_401] : memref<50x512xi32, #tpu.memory_space<vmem>> -> memref<1x512xi32, #tpu.memory_space<vmem>>
      %dma_start3A_403 = tpu.memref_squeeze %dma_start3A_402 : memref<1x512xi32, #tpu.memory_space<vmem>> -> memref<512xi32, #tpu.memory_space<vmem>>
      %dma_start3A_404 = arith.constant 0 : i32
      %dma_start3A_405 = arith.constant 0 : i32
      %dma_start3A_406 = tpu.memref_slice %arg3[%dma_start3A_404, %dma_start3A_405] : memref<1000000x32xf32, #tpu.memory_space<hbm>> -> memref<1000000x32xf32, #tpu.memory_space<hbm>>
      %dma_start3A_407 = tpu.memref_slice %arg8[%dma_start3A_396] : memref<2x!tpu.dma_semaphore, #tpu.memory_space<semaphore_mem>> -> memref<1x!tpu.dma_semaphore, #tpu.memory_space<semaphore_mem>>
      %dma_start3A_408 = tpu.memref_squeeze %dma_start3A_407 : memref<1x!tpu.dma_semaphore, #tpu.memory_space<semaphore_mem>> -> memref<!tpu.dma_semaphore, #tpu.memory_space<semaphore_mem>>
      tpu.enqueue_indirect_dma source(%dma_start3A_406 : memref<1000000x32xf32, #tpu.memory_space<hbm>>) target(%dma_start3A_400 : memref<512x32xf32, #tpu.memory_space<vmem>>) offsets(%dma_start3A_403 : memref<512xi32, #tpu.memory_space<vmem>>) semaphore(%dma_start3A_408 : memref<!tpu.dma_semaphore, #tpu.memory_space<semaphore_mem>>)
      %sub3A_409 = arith.constant 2 : i32
      %sub3A_410 = arith.subi %add3A_378, %sub3A_409 : i32
      %dma_wait3A_411 = arith.constant 1 : i32
      %dma_wait3A_412 = arith.constant 1 : i32
      %dma_wait3A_413 = arith.constant 0 : i32
      %dma_wait3A_414 = arith.constant 0 : i32
      %dma_wait3A_415 = tpu.memref_slice %arg7[%dma_wait3A_411, %dma_wait3A_413, %dma_wait3A_414] : memref<2x32x513xf32, #tpu.memory_space<vmem>> -> memref<1x32x512xf32, #tpu.memory_space<vmem>>
      %dma_wait3A_416 = tpu.memref_squeeze %dma_wait3A_415 : memref<1x32x512xf32, #tpu.memory_space<vmem>> -> memref<32x512xf32, #tpu.memory_space<vmem>>
      %dma_wait3A_417 = arith.constant 0 : i32
      %dma_wait3A_418 = tpu.memref_slice %arg4[%sub3A_410, %dma_wait3A_417, %mul3A_2] : memref<50x32x16384xf32, #tpu.memory_space<hbm>> -> memref<1x32x512xf32, #tpu.memory_space<hbm>>
      %dma_wait3A_419 = tpu.memref_squeeze %dma_wait3A_418 : memref<1x32x512xf32, #tpu.memory_space<hbm>> -> memref<32x512xf32, #tpu.memory_space<hbm>>
      %dma_wait3A_420 = tpu.memref_slice %arg9[%dma_wait3A_412] : memref<2x!tpu.dma_semaphore, #tpu.memory_space<semaphore_mem>> -> memref<1x!tpu.dma_semaphore, #tpu.memory_space<semaphore_mem>>
      %dma_wait3A_421 = tpu.memref_squeeze %dma_wait3A_420 : memref<1x!tpu.dma_semaphore, #tpu.memory_space<semaphore_mem>> -> memref<!tpu.dma_semaphore, #tpu.memory_space<semaphore_mem>>
      %dma_wait3A_422 = arith.constant 0 : i32
      %dma_wait3A_423 = tpu.memref_slice %arg4[%sub3A_410, %dma_wait3A_422, %mul3A_2] : memref<50x32x16384xf32, #tpu.memory_space<hbm>> -> memref<1x32x512xf32, #tpu.memory_space<hbm>>
      %dma_wait3A_424 = tpu.memref_squeeze %dma_wait3A_423 : memref<1x32x512xf32, #tpu.memory_space<hbm>> -> memref<32x512xf32, #tpu.memory_space<hbm>>
      %dma_wait3A_425 = arith.constant 0 : i32
      %dma_wait3A_426 = arith.constant 0 : i32
      %dma_wait3A_427 = tpu.memref_slice %arg7[%dma_wait3A_411, %dma_wait3A_425, %dma_wait3A_426] : memref<2x32x513xf32, #tpu.memory_space<vmem>> -> memref<1x32x512xf32, #tpu.memory_space<vmem>>
      %dma_wait3A_428 = tpu.memref_squeeze %dma_wait3A_427 : memref<1x32x512xf32, #tpu.memory_space<vmem>> -> memref<32x512xf32, #tpu.memory_space<vmem>>
      tpu.wait_dma2 semaphore(%dma_wait3A_421 : memref<!tpu.dma_semaphore, #tpu.memory_space<semaphore_mem>>) src(%dma_wait3A_428 : memref<32x512xf32, #tpu.memory_space<vmem>>) dst(%dma_wait3A_424 : memref<32x512xf32, #tpu.memory_space<hbm>>)
      %parallel_loop3A_429 = arith.constant 0 : i32
      %parallel_loop3A_430 = arith.constant 512 : i32
      %parallel_loop3A_431 = arith.constant 1 : i32
      %parallel_loop3A_432 = arith.constant 1 : i32
      %parallel_loop3A_433 = arith.constant 1 : i32
      scf.for %parallel_loop3A_452 = %parallel_loop3A_429 to %parallel_loop3A_430 step %parallel_loop3A_431  : i32 {
        %parallel_loop3A_453 = vector.broadcast %parallel_loop3A_452 : i32 to vector<16xi32>
        %parallel_loop3A_454 = arith.constant 0 : i32
        %parallel_loop3A_455 = vector.broadcast %parallel_loop3A_454 : i32 to vector<16xi32>
        %parallel_loop3A_456 = arith.addi %parallel_loop3A_455, %iota3A : vector<16xi32>
        %parallel_loop3A_457 = arith.constant 0 : i32
        %parallel_loop3A_458 = arith.constant 0 : i32
        %parallel_loop3A_459 = tpu.memref_slice %arg6[%parallel_loop3A_432, %parallel_loop3A_457, %parallel_loop3A_458] : memref<2x512x32xf32, #tpu.memory_space<vmem>> -> memref<1x512x32xf32, #tpu.memory_space<vmem>>
        %parallel_loop3A_460 = tpu.memref_squeeze %parallel_loop3A_459 : memref<1x512x32xf32, #tpu.memory_space<vmem>> -> memref<512x32xf32, #tpu.memory_space<vmem>>
        %parallel_loop3A_461 = tpu.vector_load_idx %parallel_loop3A_460[%parallel_loop3A_453, %parallel_loop3A_456] : memref<512x32xf32, #tpu.memory_space<vmem>>[vector<16xi32>, vector<16xi32>], vector<16xf32>,
        %parallel_loop3A_462 = arith.constant 0 : i32
        %parallel_loop3A_463 = arith.constant 0 : i32
        %parallel_loop3A_464 = tpu.memref_slice %arg7[%parallel_loop3A_433, %parallel_loop3A_462, %parallel_loop3A_463] : memref<2x32x513xf32, #tpu.memory_space<vmem>> -> memref<1x32x513xf32, #tpu.memory_space<vmem>>
        %parallel_loop3A_465 = tpu.memref_squeeze %parallel_loop3A_464 : memref<1x32x513xf32, #tpu.memory_space<vmem>> -> memref<32x513xf32, #tpu.memory_space<vmem>>
        tpu.vector_store_idx %parallel_loop3A_465[%parallel_loop3A_456, %parallel_loop3A_453], %parallel_loop3A_461 : memref<32x513xf32, #tpu.memory_space<vmem>>[vector<16xi32>, vector<16xi32>], vector<16xf32>,
        %parallel_loop3A_466 = arith.constant 16 : i32
        %parallel_loop3A_467 = vector.broadcast %parallel_loop3A_466 : i32 to vector<16xi32>
        %parallel_loop3A_468 = arith.addi %parallel_loop3A_467, %iota3A : vector<16xi32>
        %parallel_loop3A_469 = arith.constant 0 : i32
        %parallel_loop3A_470 = arith.constant 0 : i32
        %parallel_loop3A_471 = tpu.memref_slice %arg6[%parallel_loop3A_432, %parallel_loop3A_469, %parallel_loop3A_470] : memref<2x512x32xf32, #tpu.memory_space<vmem>> -> memref<1x512x32xf32, #tpu.memory_space<vmem>>
        %parallel_loop3A_472 = tpu.memref_squeeze %parallel_loop3A_471 : memref<1x512x32xf32, #tpu.memory_space<vmem>> -> memref<512x32xf32, #tpu.memory_space<vmem>>
        %parallel_loop3A_473 = tpu.vector_load_idx %parallel_loop3A_472[%parallel_loop3A_453, %parallel_loop3A_468] : memref<512x32xf32, #tpu.memory_space<vmem>>[vector<16xi32>, vector<16xi32>], vector<16xf32>,
        %parallel_loop3A_474 = arith.constant 0 : i32
        %parallel_loop3A_475 = arith.constant 0 : i32
        %parallel_loop3A_476 = tpu.memref_slice %arg7[%parallel_loop3A_433, %parallel_loop3A_474, %parallel_loop3A_475] : memref<2x32x513xf32, #tpu.memory_space<vmem>> -> memref<1x32x513xf32, #tpu.memory_space<vmem>>
        %parallel_loop3A_477 = tpu.memref_squeeze %parallel_loop3A_476 : memref<1x32x513xf32, #tpu.memory_space<vmem>> -> memref<32x513xf32, #tpu.memory_space<vmem>>
        tpu.vector_store_idx %parallel_loop3A_477[%parallel_loop3A_468, %parallel_loop3A_453], %parallel_loop3A_473 : memref<32x513xf32, #tpu.memory_space<vmem>>[vector<16xi32>, vector<16xi32>], vector<16xf32>,
      } {sc.loop_unroll_factor = 8 : i64, sc.parallel_access}
      %dma_start3A_434 = arith.constant 1 : i32
      %dma_start3A_435 = arith.constant 1 : i32
      %dma_start3A_436 = arith.constant 0 : i32
      %dma_start3A_437 = arith.constant 0 : i32
      %dma_start3A_438 = tpu.memref_slice %arg7[%dma_start3A_434, %dma_start3A_436, %dma_start3A_437] : memref<2x32x513xf32, #tpu.memory_space<vmem>> -> memref<1x32x512xf32, #tpu.memory_space<vmem>>
      %dma_start3A_439 = tpu.memref_squeeze %dma_start3A_438 : memref<1x32x512xf32, #tpu.memory_space<vmem>> -> memref<32x512xf32, #tpu.memory_space<vmem>>
      %dma_start3A_440 = arith.constant 0 : i32
      %dma_start3A_441 = tpu.memref_slice %arg4[%add3A_378, %dma_start3A_440, %mul3A_2] : memref<50x32x16384xf32, #tpu.memory_space<hbm>> -> memref<1x32x512xf32, #tpu.memory_space<hbm>>
      %dma_start3A_442 = tpu.memref_squeeze %dma_start3A_441 : memref<1x32x512xf32, #tpu.memory_space<hbm>> -> memref<32x512xf32, #tpu.memory_space<hbm>>
      %dma_start3A_443 = tpu.memref_slice %arg9[%dma_start3A_435] : memref<2x!tpu.dma_semaphore, #tpu.memory_space<semaphore_mem>> -> memref<1x!tpu.dma_semaphore, #tpu.memory_space<semaphore_mem>>
      %dma_start3A_444 = tpu.memref_squeeze %dma_start3A_443 : memref<1x!tpu.dma_semaphore, #tpu.memory_space<semaphore_mem>> -> memref<!tpu.dma_semaphore, #tpu.memory_space<semaphore_mem>>
      %dma_start3A_445 = arith.constant 0 : i32
      %dma_start3A_446 = tpu.memref_slice %arg4[%add3A_378, %dma_start3A_445, %mul3A_2] : memref<50x32x16384xf32, #tpu.memory_space<hbm>> -> memref<1x32x512xf32, #tpu.memory_space<hbm>>
      %dma_start3A_447 = tpu.memref_squeeze %dma_start3A_446 : memref<1x32x512xf32, #tpu.memory_space<hbm>> -> memref<32x512xf32, #tpu.memory_space<hbm>>
      %dma_start3A_448 = arith.constant 0 : i32
      %dma_start3A_449 = arith.constant 0 : i32
      %dma_start3A_450 = tpu.memref_slice %arg7[%dma_start3A_434, %dma_start3A_448, %dma_start3A_449] : memref<2x32x513xf32, #tpu.memory_space<vmem>> -> memref<1x32x512xf32, #tpu.memory_space<vmem>>
      %dma_start3A_451 = tpu.memref_squeeze %dma_start3A_450 : memref<1x32x512xf32, #tpu.memory_space<vmem>> -> memref<32x512xf32, #tpu.memory_space<vmem>>
      tpu.enqueue_dma source(%dma_start3A_451 : memref<32x512xf32, #tpu.memory_space<vmem>>) target(%dma_start3A_447 : memref<32x512xf32, #tpu.memory_space<hbm>>) target_semaphore(%dma_start3A_444 : memref<!tpu.dma_semaphore, #tpu.memory_space<semaphore_mem>>)
    }
    %scan3A_126 = arith.constant 23 : i32
    %dma_wait3A_127 = arith.constant 48 : i32
    %dma_wait3A_128 = arith.constant 0 : i32
    %dma_wait3A_129 = arith.constant 0 : i32
    %dma_wait3A_130 = arith.constant 0 : i32
    %dma_wait3A_131 = arith.constant 0 : i32
    %dma_wait3A_132 = tpu.memref_slice %arg6[%dma_wait3A_128, %dma_wait3A_130, %dma_wait3A_131] : memref<2x512x32xf32, #tpu.memory_space<vmem>> -> memref<1x512x32xf32, #tpu.memory_space<vmem>>
    %dma_wait3A_133 = tpu.memref_squeeze %dma_wait3A_132 : memref<1x512x32xf32, #tpu.memory_space<vmem>> -> memref<512x32xf32, #tpu.memory_space<vmem>>
    %dma_wait3A_134 = arith.constant 0 : i32
    %dma_wait3A_135 = tpu.memref_slice %arg5[%dma_wait3A_127, %dma_wait3A_134] : memref<50x512xi32, #tpu.memory_space<vmem>> -> memref<1x512xi32, #tpu.memory_space<vmem>>
    %dma_wait3A_136 = tpu.memref_squeeze %dma_wait3A_135 : memref<1x512xi32, #tpu.memory_space<vmem>> -> memref<512xi32, #tpu.memory_space<vmem>>
    %dma_wait3A_137 = arith.constant 0 : i32
    %dma_wait3A_138 = arith.constant 0 : i32
    %dma_wait3A_139 = tpu.memref_slice %arg3[%dma_wait3A_137, %dma_wait3A_138] : memref<1000000x32xf32, #tpu.memory_space<hbm>> -> memref<1000000x32xf32, #tpu.memory_space<hbm>>
    %dma_wait3A_140 = tpu.memref_slice %arg8[%dma_wait3A_129] : memref<2x!tpu.dma_semaphore, #tpu.memory_space<semaphore_mem>> -> memref<1x!tpu.dma_semaphore, #tpu.memory_space<semaphore_mem>>
    %dma_wait3A_141 = tpu.memref_squeeze %dma_wait3A_140 : memref<1x!tpu.dma_semaphore, #tpu.memory_space<semaphore_mem>> -> memref<!tpu.dma_semaphore, #tpu.memory_space<semaphore_mem>>
    tpu.wait_indirect_dma semaphore(%dma_wait3A_141 : memref<!tpu.dma_semaphore, #tpu.memory_space<semaphore_mem>>) src(%dma_wait3A_139 : memref<1000000x32xf32, #tpu.memory_space<hbm>>) dst(%dma_wait3A_133 : memref<512x32xf32, #tpu.memory_space<vmem>>)
    %dma_start3A_142 = arith.constant 49 : i32
    %dma_start3A_143 = arith.constant 1 : i32
    %dma_start3A_144 = arith.constant 1 : i32
    %dma_start3A_145 = arith.constant 0 : i32
    %dma_start3A_146 = arith.constant 0 : i32
    %dma_start3A_147 = tpu.memref_slice %arg6[%dma_start3A_143, %dma_start3A_145, %dma_start3A_146] : memref<2x512x32xf32, #tpu.memory_space<vmem>> -> memref<1x512x32xf32, #tpu.memory_space<vmem>>
    %dma_start3A_148 = tpu.memref_squeeze %dma_start3A_147 : memref<1x512x32xf32, #tpu.memory_space<vmem>> -> memref<512x32xf32, #tpu.memory_space<vmem>>
    %dma_start3A_149 = arith.constant 0 : i32
    %dma_start3A_150 = tpu.memref_slice %arg5[%dma_start3A_142, %dma_start3A_149] : memref<50x512xi32, #tpu.memory_space<vmem>> -> memref<1x512xi32, #tpu.memory_space<vmem>>
    %dma_start3A_151 = tpu.memref_squeeze %dma_start3A_150 : memref<1x512xi32, #tpu.memory_space<vmem>> -> memref<512xi32, #tpu.memory_space<vmem>>
    %dma_start3A_152 = arith.constant 0 : i32
    %dma_start3A_153 = arith.constant 0 : i32
    %dma_start3A_154 = tpu.memref_slice %arg3[%dma_start3A_152, %dma_start3A_153] : memref<1000000x32xf32, #tpu.memory_space<hbm>> -> memref<1000000x32xf32, #tpu.memory_space<hbm>>
    %dma_start3A_155 = tpu.memref_slice %arg8[%dma_start3A_144] : memref<2x!tpu.dma_semaphore, #tpu.memory_space<semaphore_mem>> -> memref<1x!tpu.dma_semaphore, #tpu.memory_space<semaphore_mem>>
    %dma_start3A_156 = tpu.memref_squeeze %dma_start3A_155 : memref<1x!tpu.dma_semaphore, #tpu.memory_space<semaphore_mem>> -> memref<!tpu.dma_semaphore, #tpu.memory_space<semaphore_mem>>
    tpu.enqueue_indirect_dma source(%dma_start3A_154 : memref<1000000x32xf32, #tpu.memory_space<hbm>>) target(%dma_start3A_148 : memref<512x32xf32, #tpu.memory_space<vmem>>) offsets(%dma_start3A_151 : memref<512xi32, #tpu.memory_space<vmem>>) semaphore(%dma_start3A_156 : memref<!tpu.dma_semaphore, #tpu.memory_space<semaphore_mem>>)
    %dma_wait3A_157 = arith.constant 0 : i32
    %dma_wait3A_158 = arith.constant 46 : i32
    %dma_wait3A_159 = arith.constant 0 : i32
    %dma_wait3A_160 = arith.constant 0 : i32
    %dma_wait3A_161 = arith.constant 0 : i32
    %dma_wait3A_162 = tpu.memref_slice %arg7[%dma_wait3A_157, %dma_wait3A_160, %dma_wait3A_161] : memref<2x32x513xf32, #tpu.memory_space<vmem>> -> memref<1x32x512xf32, #tpu.memory_space<vmem>>
    %dma_wait3A_163 = tpu.memref_squeeze %dma_wait3A_162 : memref<1x32x512xf32, #tpu.memory_space<vmem>> -> memref<32x512xf32, #tpu.memory_space<vmem>>
    %dma_wait3A_164 = arith.constant 0 : i32
    %dma_wait3A_165 = tpu.memref_slice %arg4[%dma_wait3A_158, %dma_wait3A_164, %mul3A_2] : memref<50x32x16384xf32, #tpu.memory_space<hbm>> -> memref<1x32x512xf32, #tpu.memory_space<hbm>>
    %dma_wait3A_166 = tpu.memref_squeeze %dma_wait3A_165 : memref<1x32x512xf32, #tpu.memory_space<hbm>> -> memref<32x512xf32, #tpu.memory_space<hbm>>
    %dma_wait3A_167 = tpu.memref_slice %arg9[%dma_wait3A_159] : memref<2x!tpu.dma_semaphore, #tpu.memory_space<semaphore_mem>> -> memref<1x!tpu.dma_semaphore, #tpu.memory_space<semaphore_mem>>
    %dma_wait3A_168 = tpu.memref_squeeze %dma_wait3A_167 : memref<1x!tpu.dma_semaphore, #tpu.memory_space<semaphore_mem>> -> memref<!tpu.dma_semaphore, #tpu.memory_space<semaphore_mem>>
    %dma_wait3A_169 = arith.constant 0 : i32
    %dma_wait3A_170 = tpu.memref_slice %arg4[%dma_wait3A_158, %dma_wait3A_169, %mul3A_2] : memref<50x32x16384xf32, #tpu.memory_space<hbm>> -> memref<1x32x512xf32, #tpu.memory_space<hbm>>
    %dma_wait3A_171 = tpu.memref_squeeze %dma_wait3A_170 : memref<1x32x512xf32, #tpu.memory_space<hbm>> -> memref<32x512xf32, #tpu.memory_space<hbm>>
    %dma_wait3A_172 = arith.constant 0 : i32
    %dma_wait3A_173 = arith.constant 0 : i32
    %dma_wait3A_174 = tpu.memref_slice %arg7[%dma_wait3A_157, %dma_wait3A_172, %dma_wait3A_173] : memref<2x32x513xf32, #tpu.memory_space<vmem>> -> memref<1x32x512xf32, #tpu.memory_space<vmem>>
    %dma_wait3A_175 = tpu.memref_squeeze %dma_wait3A_174 : memref<1x32x512xf32, #tpu.memory_space<vmem>> -> memref<32x512xf32, #tpu.memory_space<vmem>>
    tpu.wait_dma2 semaphore(%dma_wait3A_168 : memref<!tpu.dma_semaphore, #tpu.memory_space<semaphore_mem>>) src(%dma_wait3A_175 : memref<32x512xf32, #tpu.memory_space<vmem>>) dst(%dma_wait3A_171 : memref<32x512xf32, #tpu.memory_space<hbm>>)
    %parallel_loop3A_176 = arith.constant 0 : i32
    %parallel_loop3A_177 = arith.constant 512 : i32
    %parallel_loop3A_178 = arith.constant 1 : i32
    %parallel_loop3A_179 = arith.constant 0 : i32
    %parallel_loop3A_180 = arith.constant 0 : i32
    scf.for %parallel_loop3A_296 = %parallel_loop3A_176 to %parallel_loop3A_177 step %parallel_loop3A_178  : i32 {
      %parallel_loop3A_297 = vector.broadcast %parallel_loop3A_296 : i32 to vector<16xi32>
      %parallel_loop3A_298 = arith.constant 0 : i32
      %parallel_loop3A_299 = vector.broadcast %parallel_loop3A_298 : i32 to vector<16xi32>
      %parallel_loop3A_300 = arith.addi %parallel_loop3A_299, %iota3A : vector<16xi32>
      %parallel_loop3A_301 = arith.constant 0 : i32
      %parallel_loop3A_302 = arith.constant 0 : i32
      %parallel_loop3A_303 = tpu.memref_slice %arg6[%parallel_loop3A_179, %parallel_loop3A_301, %parallel_loop3A_302] : memref<2x512x32xf32, #tpu.memory_space<vmem>> -> memref<1x512x32xf32, #tpu.memory_space<vmem>>
      %parallel_loop3A_304 = tpu.memref_squeeze %parallel_loop3A_303 : memref<1x512x32xf32, #tpu.memory_space<vmem>> -> memref<512x32xf32, #tpu.memory_space<vmem>>
      %parallel_loop3A_305 = tpu.vector_load_idx %parallel_loop3A_304[%parallel_loop3A_297, %parallel_loop3A_300] : memref<512x32xf32, #tpu.memory_space<vmem>>[vector<16xi32>, vector<16xi32>], vector<16xf32>,
      %parallel_loop3A_306 = arith.constant 0 : i32
      %parallel_loop3A_307 = arith.constant 0 : i32
      %parallel_loop3A_308 = tpu.memref_slice %arg7[%parallel_loop3A_180, %parallel_loop3A_306, %parallel_loop3A_307] : memref<2x32x513xf32, #tpu.memory_space<vmem>> -> memref<1x32x513xf32, #tpu.memory_space<vmem>>
      %parallel_loop3A_309 = tpu.memref_squeeze %parallel_loop3A_308 : memref<1x32x513xf32, #tpu.memory_space<vmem>> -> memref<32x513xf32, #tpu.memory_space<vmem>>
      tpu.vector_store_idx %parallel_loop3A_309[%parallel_loop3A_300, %parallel_loop3A_297], %parallel_loop3A_305 : memref<32x513xf32, #tpu.memory_space<vmem>>[vector<16xi32>, vector<16xi32>], vector<16xf32>,
      %parallel_loop3A_310 = arith.constant 16 : i32
      %parallel_loop3A_311 = vector.broadcast %parallel_loop3A_310 : i32 to vector<16xi32>
      %parallel_loop3A_312 = arith.addi %parallel_loop3A_311, %iota3A : vector<16xi32>
      %parallel_loop3A_313 = arith.constant 0 : i32
      %parallel_loop3A_314 = arith.constant 0 : i32
      %parallel_loop3A_315 = tpu.memref_slice %arg6[%parallel_loop3A_179, %parallel_loop3A_313, %parallel_loop3A_314] : memref<2x512x32xf32, #tpu.memory_space<vmem>> -> memref<1x512x32xf32, #tpu.memory_space<vmem>>
      %parallel_loop3A_316 = tpu.memref_squeeze %parallel_loop3A_315 : memref<1x512x32xf32, #tpu.memory_space<vmem>> -> memref<512x32xf32, #tpu.memory_space<vmem>>
      %parallel_loop3A_317 = tpu.vector_load_idx %parallel_loop3A_316[%parallel_loop3A_297, %parallel_loop3A_312] : memref<512x32xf32, #tpu.memory_space<vmem>>[vector<16xi32>, vector<16xi32>], vector<16xf32>,
      %parallel_loop3A_318 = arith.constant 0 : i32
      %parallel_loop3A_319 = arith.constant 0 : i32
      %parallel_loop3A_320 = tpu.memref_slice %arg7[%parallel_loop3A_180, %parallel_loop3A_318, %parallel_loop3A_319] : memref<2x32x513xf32, #tpu.memory_space<vmem>> -> memref<1x32x513xf32, #tpu.memory_space<vmem>>
      %parallel_loop3A_321 = tpu.memref_squeeze %parallel_loop3A_320 : memref<1x32x513xf32, #tpu.memory_space<vmem>> -> memref<32x513xf32, #tpu.memory_space<vmem>>
      tpu.vector_store_idx %parallel_loop3A_321[%parallel_loop3A_312, %parallel_loop3A_297], %parallel_loop3A_317 : memref<32x513xf32, #tpu.memory_space<vmem>>[vector<16xi32>, vector<16xi32>], vector<16xf32>,
    } {sc.loop_unroll_factor = 8 : i64, sc.parallel_access}
    %dma_start3A_181 = arith.constant 0 : i32
    %dma_start3A_182 = arith.constant 48 : i32
    %dma_start3A_183 = arith.constant 0 : i32
    %dma_start3A_184 = arith.constant 0 : i32
    %dma_start3A_185 = arith.constant 0 : i32
    %dma_start3A_186 = tpu.memref_slice %arg7[%dma_start3A_181, %dma_start3A_184, %dma_start3A_185] : memref<2x32x513xf32, #tpu.memory_space<vmem>> -> memref<1x32x512xf32, #tpu.memory_space<vmem>>
    %dma_start3A_187 = tpu.memref_squeeze %dma_start3A_186 : memref<1x32x512xf32, #tpu.memory_space<vmem>> -> memref<32x512xf32, #tpu.memory_space<vmem>>
    %dma_start3A_188 = arith.constant 0 : i32
    %dma_start3A_189 = tpu.memref_slice %arg4[%dma_start3A_182, %dma_start3A_188, %mul3A_2] : memref<50x32x16384xf32, #tpu.memory_space<hbm>> -> memref<1x32x512xf32, #tpu.memory_space<hbm>>
    %dma_start3A_190 = tpu.memref_squeeze %dma_start3A_189 : memref<1x32x512xf32, #tpu.memory_space<hbm>> -> memref<32x512xf32, #tpu.memory_space<hbm>>
    %dma_start3A_191 = tpu.memref_slice %arg9[%dma_start3A_183] : memref<2x!tpu.dma_semaphore, #tpu.memory_space<semaphore_mem>> -> memref<1x!tpu.dma_semaphore, #tpu.memory_space<semaphore_mem>>
    %dma_start3A_192 = tpu.memref_squeeze %dma_start3A_191 : memref<1x!tpu.dma_semaphore, #tpu.memory_space<semaphore_mem>> -> memref<!tpu.dma_semaphore, #tpu.memory_space<semaphore_mem>>
    %dma_start3A_193 = arith.constant 0 : i32
    %dma_start3A_194 = tpu.memref_slice %arg4[%dma_start3A_182, %dma_start3A_193, %mul3A_2] : memref<50x32x16384xf32, #tpu.memory_space<hbm>> -> memref<1x32x512xf32, #tpu.memory_space<hbm>>
    %dma_start3A_195 = tpu.memref_squeeze %dma_start3A_194 : memref<1x32x512xf32, #tpu.memory_space<hbm>> -> memref<32x512xf32, #tpu.memory_space<hbm>>
    %dma_start3A_196 = arith.constant 0 : i32
    %dma_start3A_197 = arith.constant 0 : i32
    %dma_start3A_198 = tpu.memref_slice %arg7[%dma_start3A_181, %dma_start3A_196, %dma_start3A_197] : memref<2x32x513xf32, #tpu.memory_space<vmem>> -> memref<1x32x512xf32, #tpu.memory_space<vmem>>
    %dma_start3A_199 = tpu.memref_squeeze %dma_start3A_198 : memref<1x32x512xf32, #tpu.memory_space<vmem>> -> memref<32x512xf32, #tpu.memory_space<vmem>>
    tpu.enqueue_dma source(%dma_start3A_199 : memref<32x512xf32, #tpu.memory_space<vmem>>) target(%dma_start3A_195 : memref<32x512xf32, #tpu.memory_space<hbm>>) target_semaphore(%dma_start3A_192 : memref<!tpu.dma_semaphore, #tpu.memory_space<semaphore_mem>>)
    %dma_wait3A_200 = arith.constant 49 : i32
    %dma_wait3A_201 = arith.constant 1 : i32
    %dma_wait3A_202 = arith.constant 1 : i32
    %dma_wait3A_203 = arith.constant 0 : i32
    %dma_wait3A_204 = arith.constant 0 : i32
    %dma_wait3A_205 = tpu.memref_slice %arg6[%dma_wait3A_201, %dma_wait3A_203, %dma_wait3A_204] : memref<2x512x32xf32, #tpu.memory_space<vmem>> -> memref<1x512x32xf32, #tpu.memory_space<vmem>>
    %dma_wait3A_206 = tpu.memref_squeeze %dma_wait3A_205 : memref<1x512x32xf32, #tpu.memory_space<vmem>> -> memref<512x32xf32, #tpu.memory_space<vmem>>
    %dma_wait3A_207 = arith.constant 0 : i32
    %dma_wait3A_208 = tpu.memref_slice %arg5[%dma_wait3A_200, %dma_wait3A_207] : memref<50x512xi32, #tpu.memory_space<vmem>> -> memref<1x512xi32, #tpu.memory_space<vmem>>
    %dma_wait3A_209 = tpu.memref_squeeze %dma_wait3A_208 : memref<1x512xi32, #tpu.memory_space<vmem>> -> memref<512xi32, #tpu.memory_space<vmem>>
    %dma_wait3A_210 = arith.constant 0 : i32
    %dma_wait3A_211 = arith.constant 0 : i32
    %dma_wait3A_212 = tpu.memref_slice %arg3[%dma_wait3A_210, %dma_wait3A_211] : memref<1000000x32xf32, #tpu.memory_space<hbm>> -> memref<1000000x32xf32, #tpu.memory_space<hbm>>
    %dma_wait3A_213 = tpu.memref_slice %arg8[%dma_wait3A_202] : memref<2x!tpu.dma_semaphore, #tpu.memory_space<semaphore_mem>> -> memref<1x!tpu.dma_semaphore, #tpu.memory_space<semaphore_mem>>
    %dma_wait3A_214 = tpu.memref_squeeze %dma_wait3A_213 : memref<1x!tpu.dma_semaphore, #tpu.memory_space<semaphore_mem>> -> memref<!tpu.dma_semaphore, #tpu.memory_space<semaphore_mem>>
    tpu.wait_indirect_dma semaphore(%dma_wait3A_214 : memref<!tpu.dma_semaphore, #tpu.memory_space<semaphore_mem>>) src(%dma_wait3A_212 : memref<1000000x32xf32, #tpu.memory_space<hbm>>) dst(%dma_wait3A_206 : memref<512x32xf32, #tpu.memory_space<vmem>>)
    %dma_wait3A_215 = arith.constant 1 : i32
    %dma_wait3A_216 = arith.constant 47 : i32
    %dma_wait3A_217 = arith.constant 1 : i32
    %dma_wait3A_218 = arith.constant 0 : i32
    %dma_wait3A_219 = arith.constant 0 : i32
    %dma_wait3A_220 = tpu.memref_slice %arg7[%dma_wait3A_215, %dma_wait3A_218, %dma_wait3A_219] : memref<2x32x513xf32, #tpu.memory_space<vmem>> -> memref<1x32x512xf32, #tpu.memory_space<vmem>>
    %dma_wait3A_221 = tpu.memref_squeeze %dma_wait3A_220 : memref<1x32x512xf32, #tpu.memory_space<vmem>> -> memref<32x512xf32, #tpu.memory_space<vmem>>
    %dma_wait3A_222 = arith.constant 0 : i32
    %dma_wait3A_223 = tpu.memref_slice %arg4[%dma_wait3A_216, %dma_wait3A_222, %mul3A_2] : memref<50x32x16384xf32, #tpu.memory_space<hbm>> -> memref<1x32x512xf32, #tpu.memory_space<hbm>>
    %dma_wait3A_224 = tpu.memref_squeeze %dma_wait3A_223 : memref<1x32x512xf32, #tpu.memory_space<hbm>> -> memref<32x512xf32, #tpu.memory_space<hbm>>
    %dma_wait3A_225 = tpu.memref_slice %arg9[%dma_wait3A_217] : memref<2x!tpu.dma_semaphore, #tpu.memory_space<semaphore_mem>> -> memref<1x!tpu.dma_semaphore, #tpu.memory_space<semaphore_mem>>
    %dma_wait3A_226 = tpu.memref_squeeze %dma_wait3A_225 : memref<1x!tpu.dma_semaphore, #tpu.memory_space<semaphore_mem>> -> memref<!tpu.dma_semaphore, #tpu.memory_space<semaphore_mem>>
    %dma_wait3A_227 = arith.constant 0 : i32
    %dma_wait3A_228 = tpu.memref_slice %arg4[%dma_wait3A_216, %dma_wait3A_227, %mul3A_2] : memref<50x32x16384xf32, #tpu.memory_space<hbm>> -> memref<1x32x512xf32, #tpu.memory_space<hbm>>
    %dma_wait3A_229 = tpu.memref_squeeze %dma_wait3A_228 : memref<1x32x512xf32, #tpu.memory_space<hbm>> -> memref<32x512xf32, #tpu.memory_space<hbm>>
    %dma_wait3A_230 = arith.constant 0 : i32
    %dma_wait3A_231 = arith.constant 0 : i32
    %dma_wait3A_232 = tpu.memref_slice %arg7[%dma_wait3A_215, %dma_wait3A_230, %dma_wait3A_231] : memref<2x32x513xf32, #tpu.memory_space<vmem>> -> memref<1x32x512xf32, #tpu.memory_space<vmem>>
    %dma_wait3A_233 = tpu.memref_squeeze %dma_wait3A_232 : memref<1x32x512xf32, #tpu.memory_space<vmem>> -> memref<32x512xf32, #tpu.memory_space<vmem>>
    tpu.wait_dma2 semaphore(%dma_wait3A_226 : memref<!tpu.dma_semaphore, #tpu.memory_space<semaphore_mem>>) src(%dma_wait3A_233 : memref<32x512xf32, #tpu.memory_space<vmem>>) dst(%dma_wait3A_229 : memref<32x512xf32, #tpu.memory_space<hbm>>)
    %parallel_loop3A_234 = arith.constant 0 : i32
    %parallel_loop3A_235 = arith.constant 512 : i32
    %parallel_loop3A_236 = arith.constant 1 : i32
    %parallel_loop3A_237 = arith.constant 1 : i32
    %parallel_loop3A_238 = arith.constant 1 : i32
    scf.for %parallel_loop3A_296 = %parallel_loop3A_234 to %parallel_loop3A_235 step %parallel_loop3A_236  : i32 {
      %parallel_loop3A_297 = vector.broadcast %parallel_loop3A_296 : i32 to vector<16xi32>
      %parallel_loop3A_298 = arith.constant 0 : i32
      %parallel_loop3A_299 = vector.broadcast %parallel_loop3A_298 : i32 to vector<16xi32>
      %parallel_loop3A_300 = arith.addi %parallel_loop3A_299, %iota3A : vector<16xi32>
      %parallel_loop3A_301 = arith.constant 0 : i32
      %parallel_loop3A_302 = arith.constant 0 : i32
      %parallel_loop3A_303 = tpu.memref_slice %arg6[%parallel_loop3A_237, %parallel_loop3A_301, %parallel_loop3A_302] : memref<2x512x32xf32, #tpu.memory_space<vmem>> -> memref<1x512x32xf32, #tpu.memory_space<vmem>>
      %parallel_loop3A_304 = tpu.memref_squeeze %parallel_loop3A_303 : memref<1x512x32xf32, #tpu.memory_space<vmem>> -> memref<512x32xf32, #tpu.memory_space<vmem>>
      %parallel_loop3A_305 = tpu.vector_load_idx %parallel_loop3A_304[%parallel_loop3A_297, %parallel_loop3A_300] : memref<512x32xf32, #tpu.memory_space<vmem>>[vector<16xi32>, vector<16xi32>], vector<16xf32>,
      %parallel_loop3A_306 = arith.constant 0 : i32
      %parallel_loop3A_307 = arith.constant 0 : i32
      %parallel_loop3A_308 = tpu.memref_slice %arg7[%parallel_loop3A_238, %parallel_loop3A_306, %parallel_loop3A_307] : memref<2x32x513xf32, #tpu.memory_space<vmem>> -> memref<1x32x513xf32, #tpu.memory_space<vmem>>
      %parallel_loop3A_309 = tpu.memref_squeeze %parallel_loop3A_308 : memref<1x32x513xf32, #tpu.memory_space<vmem>> -> memref<32x513xf32, #tpu.memory_space<vmem>>
      tpu.vector_store_idx %parallel_loop3A_309[%parallel_loop3A_300, %parallel_loop3A_297], %parallel_loop3A_305 : memref<32x513xf32, #tpu.memory_space<vmem>>[vector<16xi32>, vector<16xi32>], vector<16xf32>,
      %parallel_loop3A_310 = arith.constant 16 : i32
      %parallel_loop3A_311 = vector.broadcast %parallel_loop3A_310 : i32 to vector<16xi32>
      %parallel_loop3A_312 = arith.addi %parallel_loop3A_311, %iota3A : vector<16xi32>
      %parallel_loop3A_313 = arith.constant 0 : i32
      %parallel_loop3A_314 = arith.constant 0 : i32
      %parallel_loop3A_315 = tpu.memref_slice %arg6[%parallel_loop3A_237, %parallel_loop3A_313, %parallel_loop3A_314] : memref<2x512x32xf32, #tpu.memory_space<vmem>> -> memref<1x512x32xf32, #tpu.memory_space<vmem>>
      %parallel_loop3A_316 = tpu.memref_squeeze %parallel_loop3A_315 : memref<1x512x32xf32, #tpu.memory_space<vmem>> -> memref<512x32xf32, #tpu.memory_space<vmem>>
      %parallel_loop3A_317 = tpu.vector_load_idx %parallel_loop3A_316[%parallel_loop3A_297, %parallel_loop3A_312] : memref<512x32xf32, #tpu.memory_space<vmem>>[vector<16xi32>, vector<16xi32>], vector<16xf32>,
      %parallel_loop3A_318 = arith.constant 0 : i32
      %parallel_loop3A_319 = arith.constant 0 : i32
      %parallel_loop3A_320 = tpu.memref_slice %arg7[%parallel_loop3A_238, %parallel_loop3A_318, %parallel_loop3A_319] : memref<2x32x513xf32, #tpu.memory_space<vmem>> -> memref<1x32x513xf32, #tpu.memory_space<vmem>>
      %parallel_loop3A_321 = tpu.memref_squeeze %parallel_loop3A_320 : memref<1x32x513xf32, #tpu.memory_space<vmem>> -> memref<32x513xf32, #tpu.memory_space<vmem>>
      tpu.vector_store_idx %parallel_loop3A_321[%parallel_loop3A_312, %parallel_loop3A_297], %parallel_loop3A_317 : memref<32x513xf32, #tpu.memory_space<vmem>>[vector<16xi32>, vector<16xi32>], vector<16xf32>,
    } {sc.loop_unroll_factor = 8 : i64, sc.parallel_access}
    %dma_start3A_239 = arith.constant 1 : i32
    %dma_start3A_240 = arith.constant 49 : i32
    %dma_start3A_241 = arith.constant 1 : i32
    %dma_start3A_242 = arith.constant 0 : i32
    %dma_start3A_243 = arith.constant 0 : i32
    %dma_start3A_244 = tpu.memref_slice %arg7[%dma_start3A_239, %dma_start3A_242, %dma_start3A_243] : memref<2x32x513xf32, #tpu.memory_space<vmem>> -> memref<1x32x512xf32, #tpu.memory_space<vmem>>
    %dma_start3A_245 = tpu.memref_squeeze %dma_start3A_244 : memref<1x32x512xf32, #tpu.memory_space<vmem>> -> memref<32x512xf32, #tpu.memory_space<vmem>>
    %dma_start3A_246 = arith.constant 0 : i32
    %dma_start3A_247 = tpu.memref_slice %arg4[%dma_start3A_240, %dma_start3A_246, %mul3A_2] : memref<50x32x16384xf32, #tpu.memory_space<hbm>> -> memref<1x32x512xf32, #tpu.memory_space<hbm>>
    %dma_start3A_248 = tpu.memref_squeeze %dma_start3A_247 : memref<1x32x512xf32, #tpu.memory_space<hbm>> -> memref<32x512xf32, #tpu.memory_space<hbm>>
    %dma_start3A_249 = tpu.memref_slice %arg9[%dma_start3A_241] : memref<2x!tpu.dma_semaphore, #tpu.memory_space<semaphore_mem>> -> memref<1x!tpu.dma_semaphore, #tpu.memory_space<semaphore_mem>>
    %dma_start3A_250 = tpu.memref_squeeze %dma_start3A_249 : memref<1x!tpu.dma_semaphore, #tpu.memory_space<semaphore_mem>> -> memref<!tpu.dma_semaphore, #tpu.memory_space<semaphore_mem>>
    %dma_start3A_251 = arith.constant 0 : i32
    %dma_start3A_252 = tpu.memref_slice %arg4[%dma_start3A_240, %dma_start3A_251, %mul3A_2] : memref<50x32x16384xf32, #tpu.memory_space<hbm>> -> memref<1x32x512xf32, #tpu.memory_space<hbm>>
    %dma_start3A_253 = tpu.memref_squeeze %dma_start3A_252 : memref<1x32x512xf32, #tpu.memory_space<hbm>> -> memref<32x512xf32, #tpu.memory_space<hbm>>
    %dma_start3A_254 = arith.constant 0 : i32
    %dma_start3A_255 = arith.constant 0 : i32
    %dma_start3A_256 = tpu.memref_slice %arg7[%dma_start3A_239, %dma_start3A_254, %dma_start3A_255] : memref<2x32x513xf32, #tpu.memory_space<vmem>> -> memref<1x32x512xf32, #tpu.memory_space<vmem>>
    %dma_start3A_257 = tpu.memref_squeeze %dma_start3A_256 : memref<1x32x512xf32, #tpu.memory_space<vmem>> -> memref<32x512xf32, #tpu.memory_space<vmem>>
    tpu.enqueue_dma source(%dma_start3A_257 : memref<32x512xf32, #tpu.memory_space<vmem>>) target(%dma_start3A_253 : memref<32x512xf32, #tpu.memory_space<hbm>>) target_semaphore(%dma_start3A_250 : memref<!tpu.dma_semaphore, #tpu.memory_space<semaphore_mem>>)
    %dma_wait3A_258 = arith.constant 0 : i32
    %dma_wait3A_259 = arith.constant 48 : i32
    %dma_wait3A_260 = arith.constant 0 : i32
    %dma_wait3A_261 = arith.constant 0 : i32
    %dma_wait3A_262 = arith.constant 0 : i32
    %dma_wait3A_263 = tpu.memref_slice %arg7[%dma_wait3A_258, %dma_wait3A_261, %dma_wait3A_262] : memref<2x32x513xf32, #tpu.memory_space<vmem>> -> memref<1x32x512xf32, #tpu.memory_space<vmem>>
    %dma_wait3A_264 = tpu.memref_squeeze %dma_wait3A_263 : memref<1x32x512xf32, #tpu.memory_space<vmem>> -> memref<32x512xf32, #tpu.memory_space<vmem>>
    %dma_wait3A_265 = arith.constant 0 : i32
    %dma_wait3A_266 = tpu.memref_slice %arg4[%dma_wait3A_259, %dma_wait3A_265, %mul3A_2] : memref<50x32x16384xf32, #tpu.memory_space<hbm>> -> memref<1x32x512xf32, #tpu.memory_space<hbm>>
    %dma_wait3A_267 = tpu.memref_squeeze %dma_wait3A_266 : memref<1x32x512xf32, #tpu.memory_space<hbm>> -> memref<32x512xf32, #tpu.memory_space<hbm>>
    %dma_wait3A_268 = tpu.memref_slice %arg9[%dma_wait3A_260] : memref<2x!tpu.dma_semaphore, #tpu.memory_space<semaphore_mem>> -> memref<1x!tpu.dma_semaphore, #tpu.memory_space<semaphore_mem>>
    %dma_wait3A_269 = tpu.memref_squeeze %dma_wait3A_268 : memref<1x!tpu.dma_semaphore, #tpu.memory_space<semaphore_mem>> -> memref<!tpu.dma_semaphore, #tpu.memory_space<semaphore_mem>>
    %dma_wait3A_270 = arith.constant 0 : i32
    %dma_wait3A_271 = tpu.memref_slice %arg4[%dma_wait3A_259, %dma_wait3A_270, %mul3A_2] : memref<50x32x16384xf32, #tpu.memory_space<hbm>> -> memref<1x32x512xf32, #tpu.memory_space<hbm>>
    %dma_wait3A_272 = tpu.memref_squeeze %dma_wait3A_271 : memref<1x32x512xf32, #tpu.memory_space<hbm>> -> memref<32x512xf32, #tpu.memory_space<hbm>>
    %dma_wait3A_273 = arith.constant 0 : i32
    %dma_wait3A_274 = arith.constant 0 : i32
    %dma_wait3A_275 = tpu.memref_slice %arg7[%dma_wait3A_258, %dma_wait3A_273, %dma_wait3A_274] : memref<2x32x513xf32, #tpu.memory_space<vmem>> -> memref<1x32x512xf32, #tpu.memory_space<vmem>>
    %dma_wait3A_276 = tpu.memref_squeeze %dma_wait3A_275 : memref<1x32x512xf32, #tpu.memory_space<vmem>> -> memref<32x512xf32, #tpu.memory_space<vmem>>
    tpu.wait_dma2 semaphore(%dma_wait3A_269 : memref<!tpu.dma_semaphore, #tpu.memory_space<semaphore_mem>>) src(%dma_wait3A_276 : memref<32x512xf32, #tpu.memory_space<vmem>>) dst(%dma_wait3A_272 : memref<32x512xf32, #tpu.memory_space<hbm>>)
    %dma_wait3A_277 = arith.constant 1 : i32
    %dma_wait3A_278 = arith.constant 49 : i32
    %dma_wait3A_279 = arith.constant 1 : i32
    %dma_wait3A_280 = arith.constant 0 : i32
    %dma_wait3A_281 = arith.constant 0 : i32
    %dma_wait3A_282 = tpu.memref_slice %arg7[%dma_wait3A_277, %dma_wait3A_280, %dma_wait3A_281] : memref<2x32x513xf32, #tpu.memory_space<vmem>> -> memref<1x32x512xf32, #tpu.memory_space<vmem>>
    %dma_wait3A_283 = tpu.memref_squeeze %dma_wait3A_282 : memref<1x32x512xf32, #tpu.memory_space<vmem>> -> memref<32x512xf32, #tpu.memory_space<vmem>>
    %dma_wait3A_284 = arith.constant 0 : i32
    %dma_wait3A_285 = tpu.memref_slice %arg4[%dma_wait3A_278, %dma_wait3A_284, %mul3A_2] : memref<50x32x16384xf32, #tpu.memory_space<hbm>> -> memref<1x32x512xf32, #tpu.memory_space<hbm>>
    %dma_wait3A_286 = tpu.memref_squeeze %dma_wait3A_285 : memref<1x32x512xf32, #tpu.memory_space<hbm>> -> memref<32x512xf32, #tpu.memory_space<hbm>>
    %dma_wait3A_287 = tpu.memref_slice %arg9[%dma_wait3A_279] : memref<2x!tpu.dma_semaphore, #tpu.memory_space<semaphore_mem>> -> memref<1x!tpu.dma_semaphore, #tpu.memory_space<semaphore_mem>>
    %dma_wait3A_288 = tpu.memref_squeeze %dma_wait3A_287 : memref<1x!tpu.dma_semaphore, #tpu.memory_space<semaphore_mem>> -> memref<!tpu.dma_semaphore, #tpu.memory_space<semaphore_mem>>
    %dma_wait3A_289 = arith.constant 0 : i32
    %dma_wait3A_290 = tpu.memref_slice %arg4[%dma_wait3A_278, %dma_wait3A_289, %mul3A_2] : memref<50x32x16384xf32, #tpu.memory_space<hbm>> -> memref<1x32x512xf32, #tpu.memory_space<hbm>>
    %dma_wait3A_291 = tpu.memref_squeeze %dma_wait3A_290 : memref<1x32x512xf32, #tpu.memory_space<hbm>> -> memref<32x512xf32, #tpu.memory_space<hbm>>
    %dma_wait3A_292 = arith.constant 0 : i32
    %dma_wait3A_293 = arith.constant 0 : i32
    %dma_wait3A_294 = tpu.memref_slice %arg7[%dma_wait3A_277, %dma_wait3A_292, %dma_wait3A_293] : memref<2x32x513xf32, #tpu.memory_space<vmem>> -> memref<1x32x512xf32, #tpu.memory_space<vmem>>
    %dma_wait3A_295 = tpu.memref_squeeze %dma_wait3A_294 : memref<1x32x512xf32, #tpu.memory_space<vmem>> -> memref<32x512xf32, #tpu.memory_space<vmem>>
    tpu.wait_dma2 semaphore(%dma_wait3A_288 : memref<!tpu.dma_semaphore, #tpu.memory_space<semaphore_mem>>) src(%dma_wait3A_295 : memref<32x512xf32, #tpu.memory_space<vmem>>) dst(%dma_wait3A_291 : memref<32x512xf32, #tpu.memory_space<hbm>>)
    return
  }
}

</mosaic_0001>

<sc_bundles>
// kernel: kernel.3.cloned.1.call-start
scs
__scs_entry_jumppad:
0x0: {  	(pc) =	sbr.rel $0x88, $3  }
0x1: {  	(tag) =	ssettag $0x0;
	lr =	simm.s32 $0x1  }
0x2: {  	[smem:$0x3F9F] =	sst lr;
	_ =	strace $0xD0000000  }
0x3: {  	_ = 	snop  }
0x4: {  	_ = 	snop  }
0x5: {  	_ = 	snop  }
0x6: {  	_ = 	snop  }
0x7: {  	_ = 	snop  }
__scs_overlays_trampoline_lowered:
0x8: {  	[smem:$0x3FAE] =	sst s0  }
0x9: {  	[smem:$0x3FAF] =	sst s1  }
0xa: {  	[smem:$0x3FB0] =	sst s2  }
0xb: {  	[smem:$0x3FB1] =	sst s3  }
0xc: {  	[smem:$0x3FB2] =	sst s4  }
0xd: {  	[smem:$0x3FB3] =	sst s5  }
0xe: {  	[smem:$0x3FB4] =	sst s6  }
0xf: {  	[smem:$0x3FB5] =	sst s7  }
0x10: {  	[smem:$0x3FB6] =	sst s8  }
0x11: {  	[smem:$0x3FB7] =	sst s9;
	s0 =	simm.s32 @!p0 $0x0  }
0x12: {  	s1 =	sld [smem:$0x3F9D];
	s0 =	simm.s32 @p0 $0x1  }
0x13: {  	[smem:$0x3FB8] =	sst s0;
	s0 =	simm.s32 @!p1 $0x0  }
0x14: {  	s2 =	sld [smem:$0x3F9C];
	s0 =	simm.s32 @p1 $0x1  }
0x15: {  	[smem:$0x3FB9] =	sst s0;
	s0 =	simm.s32 @!p2 $0x0  }
0x16: {  	s3 =	sld [smem:$0x3FDB];
	s0 =	simm.s32 @p2 $0x1  }
0x17: {  	s4 =	simm.s32 $0x1BF5;
	[smem:$0x3FBB] =	sst s0  }
0x18: {  	s0 =	sld [smem:$0x3F9E];
	_ =	swait.ge [sflag:s4], $0x0  }
0x19: {  	s7 =	sld [smem:$0x3F9F]  }
0x1a: {  	s8 =	sadd.s32 $0xFFFFE003, lr  }
0x1b: {  	s9 =	sadd.s32 $0xFFFFFEF7, lr;
	s5 =	simm.s32 $0xFFFFFFFF;
	p2 =	slt.u32 s8, $0xFFFFF086  }
0x1c: {  	p1 =	slt.u32 s9, $0xF7A;
	s5 =	simm.s32 @!p2 $0x0  }
0x1d: {  	s5 =	simm.s32 @p1 $0x1;
	p0 =	seq.s32 s7, s2  }
0x1e: {  	s7 =	smul.u32 @!p0 $0xF7A, s2;
	p2 =	seq.s32 @!p0 s5, $0x0  }
0x1f: {  	s9 =	smul.u32 $0xF7A, s1;
	s8 =	simm.s32 @!p0 $0x1BF5;
	p2 =	por !p2, p0  }
0x20: {  	[sflag:s8] =	ssyncset.s32 @!p0 $0xFFFFF086;
	s6 =	sadd.s32 @!p0 s3, s7;
	s7 =	simm.s32 @!p0 $0x108  }
0x21: {  	s3 =	sadd.s32 s3, s9;
	s6 =	sadd.s32 @!p0 $0x88, s6;
	s7 =	simm.s32 @p2 $0x1082  }
0x22: {  	[simem:s7], [sflag:s8] =	dma.local @!p0 [hbm:s6], $0xF7A  }
0x23: {  	s9 =	sor.u32 $0xD0000000, s2;
	s6 =	simm.s32 $0x108;
	_ =	swait.ge @!p0 [sflag:s8], $0x0  }
0x24: {  	s3 =	sadd.s32 $0x88, s3;
	s6 =	simm.s32 @!p1 $0x1082;
	[sflag:s4] =	ssyncset.s32 $0xFFFFF086  }
0x25: {  	[simem:s6], [sflag:s4] =	dma.local [hbm:s3], $0xF7A  }
0x26: {  	[smem:$0x3F9F] =	sst s1;
	(tag) =	ssettag s2;
	_ =	strace s9  }
0x27: {  	s1 =	sld [smem:$0x3FAF]  }
0x28: {  	s2 =	sld [smem:$0x3FB0]  }
0x29: {  	s4 =	sld [smem:$0x3FB2]  }
0x2a: {  	p0 =	seq.s32 s5, $0x0;
	s5 =	sld [smem:$0x3FB3]  }
0x2b: {  	s6 =	sld [smem:$0x3FB4]  }
0x2c: {  	s7 =	sld [smem:$0x3FB5]  }
0x2d: {  	s3 =	simm.s32 $0x108;
	s8 =	sld [smem:$0x3FB6]  }
0x2e: {  	s3 =	simm.s32 @!p0 $0x1082;
	s9 =	sld [smem:$0x3FB7]  }
0x2f: {  	lr =	sadd.s32 s0, s3;
	s0 =	sld [smem:$0x3FAE]  }
0x30: {  	s3 =	sld [smem:$0x3FB1]  }
0x31: {  	[smem:$0x3FBA] =	sst s10  }
0x32: {  	s10 =	sld [smem:$0x3FB8];
	_ =	sdelay $0x3  }
0x33: {  	p0 =	seq.s32 s10, $0x1;
	s10 =	sld [smem:$0x3FBA];
	_ =	sdelay $0x3  }
0x34: {  	[smem:$0x3FBA] =	sst s10  }
0x35: {  	s10 =	sld [smem:$0x3FB9];
	_ =	sdelay $0x3  }
0x36: {  	p1 =	seq.s32 s10, $0x1;
	s10 =	sld [smem:$0x3FBA];
	_ =	sdelay $0x3  }
0x37: {  	[smem:$0x3FBA] =	sst s10  }
0x38: {  	s10 =	sld [smem:$0x3FBB]  }
0x39: {  	_ = 	snop;
	(pc) =	sbr.ind lr, $3  }
0x3a: {  	_ = 	snop  }
0x3b: {  	_ = 	snop  }
0x3c: {  	p2 =	seq.s32 s10, $0x1;
	s10 =	sld [smem:$0x3FBA]  }
0x3d: {  	_ =	shalt  }
0x3e: {  	_ =	shalt  }
0x3f: {  	_ =	shalt  }
0x40: {  	_ =	shalt  }
0x41: {  	_ =	shalt  }
0x42: {  	_ =	shalt  }
0x43: {  	_ =	shalt  }
0x44: {  	_ =	shalt  }
0x45: {  	_ =	shalt  }
0x46: {  	_ =	shalt  }
0x47: {  	_ =	shalt  }
0x48: {  	_ =	shalt  }
0x49: {  	_ =	shalt  }
0x4a: {  	_ =	shalt  }
0x4b: {  	_ =	shalt  }
0x4c: {  	_ =	shalt  }
0x4d: {  	_ =	shalt  }
0x4e: {  	_ =	shalt  }
0x4f: {  	_ =	shalt  }
0x50: {  	_ =	shalt  }
0x51: {  	_ =	shalt  }
0x52: {  	_ =	shalt  }
0x53: {  	_ =	shalt  }
0x54: {  	_ =	shalt  }
0x55: {  	_ =	shalt  }
0x56: {  	_ =	shalt  }
0x57: {  	_ =	shalt  }
0x58: {  	_ =	shalt  }
0x59: {  	_ =	shalt  }
0x5a: {  	_ =	shalt  }
0x5b: {  	_ =	shalt  }
0x5c: {  	_ =	shalt  }
0x5d: {  	_ =	shalt  }
0x5e: {  	_ =	shalt  }
0x5f: {  	_ =	shalt  }
0x60: {  	_ =	shalt  }
0x61: {  	_ =	shalt  }
0x62: {  	_ =	shalt  }
0x63: {  	_ =	shalt  }
0x64: {  	_ =	shalt  }
0x65: {  	_ =	shalt  }
0x66: {  	_ =	shalt  }
0x67: {  	_ =	shalt  }
0x68: {  	_ =	shalt  }
0x69: {  	_ =	shalt  }
0x6a: {  	_ =	shalt  }
0x6b: {  	_ =	shalt  }
0x6c: {  	_ =	shalt  }
0x6d: {  	_ =	shalt  }
0x6e: {  	_ =	shalt  }
0x6f: {  	_ =	shalt  }
0x70: {  	_ =	shalt  }
0x71: {  	_ =	shalt  }
0x72: {  	_ =	shalt  }
0x73: {  	_ =	shalt  }
0x74: {  	_ =	shalt  }
0x75: {  	_ =	shalt  }
0x76: {  	_ =	shalt  }
0x77: {  	_ =	shalt  }
0x78: {  	_ =	shalt  }
0x79: {  	_ =	shalt  }
0x7a: {  	_ =	shalt  }
0x7b: {  	_ =	shalt  }
0x7c: {  	_ =	shalt  }
0x7d: {  	_ =	shalt  }
0x7e: {  	_ =	shalt  }
0x7f: {  	_ =	shalt  }
0x80: {  	_ =	shalt  }
0x81: {  	_ =	shalt  }
0x82: {  	_ =	shalt  }
0x83: {  	_ =	shalt  }
0x84: {  	_ =	shalt  }
0x85: {  	_ =	shalt  }
0x86: {  	_ =	shalt  }
0x87: {  	_ =	shalt  }
.Lfunc_end0:
.L_simem_size_0:
called_computation_lowered:
.L_overlay_start_0:
0x88: {  	s2 =	sld [smem:$0x3FD9]  }
0x89: {  	s3 =	sld [smem:$0x3FFE];
	_ =	sdelay $0x1  }
0x8a: {  	s1 =	srdreg.scid  }
0x8b: {  	s0 =	sand.u32 $0x1, s1  }
0x8c: {  	s17 =	sshll.u32 s0, $0xA;
	s2 =	sadd.s32 s3, s2  }
0x8d: {  	s2 =	sadd.s32 s2, s17  }
0x8e: {  	[smem:$0x3FC6] =	sst s2  }
0x8f: {  	_ = 	snop  }
0x90: {  	s2 =	sld [smem:$0x3FD0];
	(tm) =	ssettm $0x1  }
0x91: {  	s18 =	sld [smem:$0x3FFB];
	_ =	sdelay $0x3  }
0x92: {  	_ =	strace s18  }
0x93: {  	s3 =	sld [smem:$0x3FFC];
	_ =	sdelay $0x3  }
0x94: {  	_ =	strace s3  }
0x95: {  	s3 =	sld [smem:$0x3FFD];
	_ =	sdelay $0x3  }
0x96: {  	_ =	strace s3  }
0x97: {  	_ =	strace $0x8FFFFFFF  }
0x98: {  	s19 =	sld [smem:$0x3FDB];
	_ =	sdelay $0x1  }
0x99: {  	s4 =	simm.s32 $_scs_section_size  }
0x9a: {  	s5 =	simm.s32 $_size__tile_overlayer_lowered;
	s6 =	simm.s32 $_tile_overlayer_lowered  }
0x9b: {  	s22 =	simm.s32 $0x1BFF;
	s21 =	sshll.u32 s6, $0x1;
	s3 =	sadd.s32 s4, s19  }
0x9c: {  	s7 =	simm.s32 $0x0;
	s20 =	sshll.u32 s5, $0x1;
	s5 =	sadd.s32 s21, s3  }
0x9d: {  	[timem:s7], [sflag:s22] =	dma.local [hbm:s5], s20  }
0x9e: {  	_ =	swait.ge [sflag:s22], s20  }
0x9f: {  	s4 =	ssub.s32 $0x0, s20;
	[sflag:s22] =	ssyncset.done $0x0  }
0xa0: {  	[sflag:s22] =	ssyncadd.s32 s4;
	_ =	sdelay $0x1  }
0xa1: {  	s23 =	simm.s32 $0x1B8B  }
0xa2: {  	_ =	swait.ge [sflag:s23], $0x1  }
0xa3: {  	[sflag:s23] =	ssyncset.done $0x0  }
0xa4: {  	s25 =	simm.s32 $0x1B8E;
	s24 =	sld [smem:$0x3FFE];
	[sflag:s23] =	ssyncadd.s32 $0xFFFFFFFF  }
0xa5: {  	s26 =	simm.s32 $execute0_lowered;
	[smem:$0x3FD2] =	sst s25  }
0xa6: {  	s5 =	sshll.u32 s26, $0x1;
	_ =	strace $0x80000046;
	[dreg:$0x1] =	wrdreg $0xFFFFFFFF  }
0xa7: {  	s28 =	simm.s32 $_size_execute0_lowered;
	s3 =	sadd.s32 s3, s5;
	[dreg:$0x0] =	wrdreg $0x0  }
0xa8: {  	s5 =	sshll.u32 s28, $0x1;
	[dreg:$0x2] =	wrdreg s3  }
0xa9: {  	[dreg:$0x3] =	wrdreg s5  }
0xaa: {  	[dreg:$0x4] =	wrdreg $0xC0  }
0xab: {  	_ =	task [dreg:s7], $0x5FFFF  }
0xac: {  	[dreg:$0x1] =	wrdreg $0xFFFFFFFF  }
0xad: {  	[dreg:$0x0] =	wrdreg $0x60  }
0xae: {  	[dreg:$0x2] =	wrdreg s2  }
0xaf: {  	[dreg:$0x3] =	wrdreg s24  }
0xb0: {  	[dreg:$0x4] =	wrdreg $0x9  }
0xb1: {  	_ =	task.clear_ibuf [dreg:s7], $0x5FFFF;
	_ =	strace $0x90000046  }
0xb2: {  	s29 =	simm.s32 $0x9;
	_ =	strace $0x80000048  }
0xb3: {  	_ =	swait.ge [sflag:s29], $0x1  }
0xb4: {  	[sflag:s29] =	ssyncadd.s32 $0xFFFFFFFF  }
0xb5: {  	_ =	strace $0x90000048  }
0xb6: {  	_ =	sfence  }
0xb7: {  	s30 =	sld [smem:$0x0];
	_ =	sdelay $0x2  }
0xb8: {  	s31 =	sshll.u32 s1, $0xD;
	s1 =	sshrl.u32 s1, $0x2  }
0xb9: {  	s3 =	sand.u32 $0x4000, s31;
	s1 =	sadd.s32 s1, s30  }
0xba: {  	s0 =	sor.u32 s3, s0;
	s1 =	sshll.u32 s1, $0x11  }
0xbb: {  	s0 =	sor.u32 s1, s0  }
0xbc: {  	s0 =	sadd.s32 $0x8F2B, s0  }
0xbd: {  	[sflag:s0] =	ssyncadd.remote.s32 $0x1  }
0xbe: {  	_ =	sfence.sel $0xFFFF  }
0xbf: {  	[dreg:$0x0] =	wrdreg $0xFFFFFFFF;
	(pc) =	sbr.abs _section_cstart, $3  }
0xc0: {  	[dreg:$0x1] =	wrdreg $0xFFFFFFFF  }
0xc1: {  	_ =	task.clear_ibuf [dreg:s7], $0x2FFFF;
	_ =	strace $0x9FFFFFFF  }
0xc2: {  	(tm) =	ssettm $0x7FFFFFFF  }
0xc3: {  	_ =	shalt  }
tec
execute0_lowered:
.L_overlay_start_1:
0x0: {  	(tag) =	ssettag $0x1  }
0x1: {  	v0 =	vlaneseq.u32  }
0x2: {  	s0 =	rddreg [dreg:$0x0];
	s2 =	simm.s32 $0x0;
	v1 =	vmul.u32 $0x208, v0  }
0x3: {  	[smem:$0x7FF] =	sst s2  }
0x4: {  	s1 =	rddreg [dreg:$0x1];
	_ =	strace $0x80000047;
	v3 =	vadd.s32 $0x2080, v1;
	[tilespmem:$0x1FF10] =	vst v1  }
0x5: {  	v8 =	vor.u32 $0x1, v1;
	[tilespmem:$0x1FF00] =	vst v3  }
0x6: {  	v9 =	vadd.s32 $0x2081, v1;
	[tilespmem:$0x1FF20] =	vst v8  }
0x7: {  	v10 =	vor.u32 $0x2, v1;
	[tilespmem:$0x1FF30] =	vst v9  }
0x8: {  	v11 =	vadd.s32 $0x2082, v1;
	[tilespmem:$0x1FF40] =	vst v10  }
0x9: {  	s3 =	srdreg.scid;
	v12 =	vor.u32 $0x3, v1;
	[tilespmem:$0x1FF50] =	vst v11  }
0xa: {  	s5 =	stileid.u32;
	s12 =	simm.s32 $0x200;
	s14 =	simm.s32 $0x5;
	v13 =	vadd.s32 $0x2083, v1;
	[tilespmem:$0x1FF60] =	vst v12  }
0xb: {  	s15 =	simm.s32 $0x6400;
	s16 =	simm.s32 $0x1;
	s17 =	simm.s32 $0xA400;
	v14 =	vor.u32 $0x4, v1;
	[tilespmem:$0x1FF70] =	vst v13  }
0xc: {  	s18 =	simm.s32 $0xE400;
	s19 =	simm.s32 $0x2;
	s20 =	simm.s32 $0x400;
	v15 =	vadd.s32 $0x2084, v1;
	[tilespmem:$0x1FF80] =	vst v14  }
0xd: {  	s21 =	simm.s32 $0x12500;
	s22 =	simm.s32 $0x3;
	s23 =	simm.s32 $0x4;
	v16 =	vor.u32 $0x5, v1;
	[tilespmem:$0x1FF90] =	vst v15  }
0xe: {  	s24 =	simm.s32 $0x6200;
	s25 =	simm.s32 $0x0;
	s4 =	sand.u32 $0x1, s3;
	v17 =	vadd.s32 $0x2085, v1;
	[tilespmem:$0x1FFA0] =	vst v16  }
0xf: {  	s5 =	sshll.u32 s5, $0xA;
	s6 =	sshll.u32 s4, $0x9;
	s7 =	ssub.s32 $0x2, s4;
	v6 =	vor.u32 $0x6, v1;
	[tilespmem:$0x1FFB0] =	vst v17  }
0x10: {  	s3 =	sadd.s32 $0xF42A00, s1;
	s4 =	sor.u32 s6, s5;
	s31 =	sshrl.u32 s7, $0x1;
	v5 =	vadd.s32 $0x2086, v1;
	[tilespmem:$0x1FFC0] =	vst v6  }
0x11: {  	s5 =	sadd.s32 $0x600, s1;
	v4 =	vadd.s32 $0x2087, v1;
	s8 =	sshrl.u32 s4, $0x3;
	s1 =	ssub.s32 s7, s31;
	[tilespmem:$0x1FFD0] =	vst v5  }
0x12: {  	v3 =	vor.u32 $0x7, v1;
	[tilespmem:$0x1FFF0] =	vst v4;
	s6 =	sadd.s32 s0, s8;
	s7 =	sadd.s32 s5, s8;
	s11 =	smax.u32 s1, $0x1  }
0x13: {  	v2 =	vor.u32 $0x10, v0;
	[tilespmem:$0x1FFE0] =	vst v3;
	s8 =	sadd.s32 $0x10000, s7;
	s9 =	sadd.s32 $0x300000, s7;
	s10 =	sadd.s32 $0x310000, s7  }
.LBB2_1:
0x14: {  	s0 =	simm.s32 $0x1;
	s1 =	simm.s32 $0x2  }
0x15: {  	s26 =	simm.s32 $0x3;
	s29 =	simm.s32 $0x4;
	s30 =	simm.s32 $0x5;
	v18 =	vmov s0  }
0x16: {  	s31 =	simm.s32 $0x7;
	s13 =	simm.s32 $0x6;
	v19 =	vmov s1;
	v20 =	vmov s26;
	v22 =	vmov s29;
	s26 =	simm.s32 $0x4000  }
0x17: {  	v23 =	vmov s30;
	v25 =	vmov s31;
	[tilespmem:s2], [sflag:$0x5] =	stream.strided.gather [hbm4b:s6+s12], $0x6400, s26, s12, $0x38;
	[tilespmem:$0x16600] =	vst v63  }
0x18: {  	v33 =	vmov s13;
	v21 =	vshll.u32 v19, $0x5;
	v24 =	vshll.u32 v18, $0x5;
	_ =	swait.ge [sflag:s14], $0x6400  }
0x19: {  	v26 =	vshll.u32 v20, $0x5;
	v27 =	vshll.u32 v25, $0x5;
	v28 =	vshll.u32 v22, $0x5;
	[sflag:s14] =	ssyncset.done $0x0  }
0x1a: {  	v29 =	vshll.u32 v23, $0x5;
	v20 =	vand.u32 $0x1F8, v20;
	v23 =	vand.u32 $0x1F8, v23;
	[sflag:s14] =	ssyncadd.s32 $0xFFFF9C00  }
0x1b: {  	v30 =	vor.u32 v0, v27;
	v31 =	vor.u32 v0, v24;
	v35 =	vor.u32 v0, v29;
	[tilespmem:s15], [sflag:$0x1] =	stream.indirect.gather [hbm4b:s3+s12], $0x20, s2, s12, $0xb8;
	[tilespmem:$0x16600] =	vst v63  }
0x1c: {  	v42 =	vadd.s32 v12, v20;
	v43 =	vor.u32 v2, v24;
	v24 =	vadd.s32 v16, v23;
	_ =	swait.ge [sflag:s16], $0x4000  }
0x1d: {  	v57 =	vadd.s32 v17, v23;
	v23 =	vor.u32 v0, v28;
	v20 =	vadd.s32 v13, v20;
	[sflag:s16] =	ssyncset.done $0x0  }
0x1e: {  	v25 =	vand.u32 $0x1F8, v25;
	v36 =	vshll.u32 v33, $0x5;
	v33 =	vand.u32 $0x1F8, v33;
	[tilespmem:$0x1FEF0] =	vst v20;
	[sflag:s16] =	ssyncadd.s32 $0xFFFFC000  }
0x1f: {  	v18 =	vand.u32 $0x1F8, v18;
	v19 =	vand.u32 $0x1F8, v19;
	v22 =	vand.u32 $0x1F8, v22;
	[tilespmem:s17], [sflag:$0x2] =	stream.indirect.gather [hbm4b:s3+s12], $0x20, s12, s12, $0xb8;
	[tilespmem:$0x16600] =	vst v63  }
0x20: {  	v32 =	vor.u32 v0, v26;
	v34 =	vor.u32 v0, v21;
	v63 =	vor.u32 v2, v26;
	v26 =	vld.idx.msk [tilespmem:v30+s15+$0x0], $0xffff  }
0x21: {  	s31 =	simm.s32 $0xB;
	v38 =	vadd.s32 v3, v25;
	v44 =	vadd.s32 v14, v22;
	v56 =	vadd.s32 v15, v22;
	v22 =	vld.idx.msk [tilespmem:v35+s15+$0x0], $0xffff  }
0x22: {  	s30 =	simm.s32 $0xA;
	v46 =	vmov s31;
	v62 =	vor.u32 v0, v36;
	v39 =	vadd.s32 v8, v18;
	v23 =	vld.idx.msk [tilespmem:v23+s15+$0x0], $0xffff  }
0x23: {  	v27 =	vor.u32 v2, v27;
	v37 =	vadd.s32 v4, v25;
	v25 =	vld.idx.msk [tilespmem:v31+s15+$0x0], $0xffff;
	v35 =	vmov s30;
	s30 =	simm.s32 $0xF  }
0x24: {  	v29 =	vor.u32 v2, v29;
	v52 =	vadd.s32 v6, v33;
	v41 =	vmov s30  }
0x25: {  	v40 =	vadd.s32 v10, v19;
	v45 =	vadd.s32 v9, v18;
	v31 =	vld.idx.msk [tilespmem:v32+s15+$0x0], $0xffff;
	v18 =	vshll.u32 v41, $0x5  }
0x26: {  	s29 =	simm.s32 $0x9;
	v7 =	vor.u32 v2, v21;
	v30 =	vmov s2;
	v21 =	vld.idx.msk [tilespmem:v34+s15+$0x0], $0xffff;
	v58 =	vor.u32 v0, v18;
	[tilespmem:v38+s18+$0x0] =	vst.idx.msk $0xffff, v26  }
0x27: {  	v20 =	vadd.s32 v5, v33;
	v33 =	vmov s29;
	s29 =	simm.s32 $0xD;
	v51 =	vshll.u32 v30, $0x5;
	[tilespmem:v44+s18+$0x0] =	vst.idx.msk $0xffff, v23;
	v44 =	vld.idx.msk [tilespmem:v62+s15+$0x0], $0xffff  }
0x28: {  	v47 =	vor.u32 v2, v36;
	v36 =	vmov s29;
	v30 =	vor.u32 v2, v51;
	[tilespmem:v39+s18+$0x0] =	vst.idx.msk $0xffff, v25;
	v27 =	vld.idx.msk [tilespmem:v27+s15+$0x0], $0xffff  }
0x29: {  	s31 =	simm.s32 $0xE;
	v53 =	vand.u32 $0x1F8, v41;
	v51 =	vor.u32 v0, v51;
	[tilespmem:v24+s18+$0x0] =	vst.idx.msk $0xffff, v22;
	v38 =	vshll.u32 v36, $0x5;
	v43 =	vld.idx.msk [tilespmem:v43+s15+$0x0], $0xffff  }
0x2a: {  	v25 =	vmov s31;
	[tilespmem:v42+s18+$0x0] =	vst.idx.msk $0xffff, v31;
	v42 =	vadd.s32 v3, v53;
	v59 =	vld.idx.msk [tilespmem:v29+s15+$0x0], $0xffff;
	v60 =	vor.u32 v0, v38  }
0x2b: {  	[tilespmem:v40+s18+$0x0] =	vst.idx.msk $0xffff, v21;
	v62 =	vshll.u32 v25, $0x5;
	v31 =	vand.u32 $0x1F8, v25;
	v25 =	vor.u32 v2, v38;
	v38 =	vld.idx.msk [tilespmem:v58+s15+$0x0], $0xffff  }
0x2c: {  	[tilespmem:v52+s18+$0x0] =	vst.idx.msk $0xffff, v44  }
0x2d: {  	[tilespmem:v37+s18+$0x0] =	vst.idx.msk $0xffff, v27  }
0x2e: {  	v55 =	vshll.u32 v46, $0x5;
	v41 =	vld.idx.msk [tilespmem:v51+s15+$0x0], $0xffff;
	v58 =	vand.u32 $0x1F8, v46;
	v46 =	vand.u32 $0x1F8, v36;
	[tilespmem:v45+s18+$0x0] =	vst.idx.msk $0xffff, v43  }
0x2f: {  	v51 =	vadd.s32 v16, v46;
	v40 =	vadd.s32 v17, v46;
	v46 =	vld.idx.msk [tilespmem:v47+s15+$0x0], $0xffff;
	[tilespmem:v57+s18+$0x0] =	vst.idx.msk $0xffff, v59  }
0x30: {  	v47 =	vld.idx.msk [tilespmem:v7+s15+$0x0], $0xffff;
	[tilespmem:v42+s18+$0x0] =	vst.idx.msk $0xffff, v38  }
0x31: {  	v7 =	vld [tilespmem:$0x1FEF0];
	_ =	sdelay $0x1  }
0x32: {  	v54 =	vadd.s32 s2, v1  }
0x33: {  	s13 =	simm.s32 $0xC;
	v63 =	vld.idx.msk [tilespmem:v63+s15+$0x0], $0xffff  }
0x34: {  	v50 =	vmov s13  }
0x35: {  	v48 =	vor.u32 v2, v28;
	v19 =	vadd.s32 v11, v19;
	v32 =	vshll.u32 v33, $0x5  }
0x36: {  	v49 =	vshll.u32 v35, $0x5;
	v34 =	vand.u32 $0x1F8, v35;
	v35 =	vor.u32 v2, v32  }
0x37: {  	v61 =	vshll.u32 v50, $0x5;
	v39 =	vor.u32 v0, v32;
	v24 =	vor.u32 v0, v55;
	[tilespmem:v54+s18+$0x0] =	vst.idx.msk $0xffff, v41  }
0x38: {  	v28 =	vand.u32 $0x1F8, v33;
	v22 =	vor.u32 v0, v49;
	v21 =	vadd.s32 v10, v34;
	[tilespmem:v7+s18+$0x0] =	vst.idx.msk $0xffff, v63  }
0x39: {  	v26 =	vand.u32 $0x1F8, v50;
	v32 =	vor.u32 v2, v55;
	v29 =	vadd.s32 v8, v28;
	v7 =	vld [tilespmem:$0x1FF00]  }
0x3a: {  	v33 =	vadd.s32 v14, v26;
	v28 =	vadd.s32 v9, v28;
	v23 =	vor.u32 v0, v62  }
0x3b: {  	v36 =	vadd.s32 v4, v53;
	v44 =	vadd.s32 v13, v58;
	v37 =	vadd.s32 v6, v31;
	v50 =	vld.idx.msk [tilespmem:v60+s15+$0x0], $0xffff  }
0x3c: {  	v27 =	vadd.s32 v12, v58;
	v43 =	vor.u32 v2, v49;
	v49 =	vor.u32 v0, v61  }
0x3d: {  	v48 =	vld.idx.msk [tilespmem:v48+s15+$0x0], $0xffff;
	v45 =	vor.u32 v2, v18;
	v38 =	vadd.s32 v15, v26;
	v26 =	vor.u32 v2, v61  }
0x3e: {  	s28 =	simm.s32 $0x10;
	s26 =	simm.s32 $0x8;
	v39 =	vld.idx.msk [tilespmem:v39+s15+$0x0], $0xffff;
	v42 =	vadd.s32 v11, v34;
	v34 =	vor.u32 v2, v62;
	v41 =	vadd.s32 s2, v7  }
.LBB2_2:
0x3f: {  	v7 =	vadd.s32 s26, v1;
	s31 =	sadd.s32 $0x5, s28  }
0x40: {  	[tilespmem:v51+s18+$0x0] =	vst.idx.msk $0xffff, v50;
	v58 =	vmov s31  }
0x41: {  	v61 =	vld.idx.msk [tilespmem:v22+s15+$0x0], $0xffff;
	[tilespmem:v19+s18+$0x0] =	vst.idx.msk $0xffff, v47;
	v47 =	vshll.u32 v58, $0x5  }
0x42: {  	v50 =	vld.idx.msk [tilespmem:v30+s15+$0x0], $0xffff;
	s29 =	smov.u32 s28;
	[tilespmem:$0x1FEE0] =	vst v7;
	v7 =	vmov v43;
	v18 =	vor.u32 v0, v47  }
0x43: {  	s31 =	sadd.s32 $0x7, s29  }
0x44: {  	v59 =	vld.idx.msk [tilespmem:v24+s15+$0x0], $0xffff;
	v24 =	vmov s31;
	[tilespmem:$0x1FEC0] =	vst v7  }
0x45: {  	v7 =	vmov v44;
	v44 =	vld.idx.msk [tilespmem:v49+s15+$0x0], $0xffff;
	[tilespmem:v56+s18+$0x0] =	vst.idx.msk $0xffff, v48;
	v48 =	vshll.u32 v24, $0x5  }
0x46: {  	v62 =	vor.u32 v0, v48  }
0x47: {  	[tilespmem:v41+s18+$0x0] =	vst.idx.msk $0xffff, v50;
	v50 =	vld.idx.msk [tilespmem:v18+s15+$0x0], $0xffff  }
0x48: {  	s13 =	sadd.s32 $0x6, s28;
	v18 =	vld [tilespmem:$0x1FEC0]  }
0x49: {  	v31 =	vadd.s32 v5, v31;
	v63 =	vld.idx.msk [tilespmem:v25+s15+$0x0], $0xffff;
	v25 =	vmov s13  }
0x4a: {  	v45 =	vld.idx.msk [tilespmem:v45+s15+$0x0], $0xffff;
	v53 =	vshll.u32 v25, $0x5;
	v60 =	vand.u32 $0x1F8, v24;
	[tilespmem:v20+s18+$0x0] =	vst.idx.msk $0xffff, v46;
	v20 =	vmovc v31;
	v31 =	vand.u32 $0x1F8, v25  }
0x4b: {  	v25 =	vor.u32 v2, v47;
	[tilespmem:v27+s18+$0x0] =	vst.idx.msk $0xffff, v59;
	v59 =	vadd.s32 v3, v60;
	v47 =	vld.idx.msk [tilespmem:v62+s15+$0x0], $0xffff;
	_ =	sdelay $0x1  }
0x4c: {  	[tilespmem:v21+s18+$0x0] =	vst.idx.msk $0xffff, v61  }
0x4d: {  	[tilespmem:$0x1FED0] =	vst v7  }
0x4e: {  	[tilespmem:v36+s18+$0x0] =	vst.idx.msk $0xffff, v45  }
0x4f: {  	[tilespmem:v59+s18+$0x0] =	vst.idx.msk $0xffff, v47;
	v47 =	vld.idx.msk [tilespmem:v18+s15+$0x0], $0xffff  }
0x50: {  	v18 =	vld [tilespmem:$0x1FED0];
	_ =	sdelay $0x2  }
0x51: {  	v56 =	vld.idx.msk [tilespmem:v32+s15+$0x0], $0xffff  }
0x52: {  	v52 =	vmov s26  }
0x53: {  	v52 =	vshll.u32 v52, $0x5  }
0x54: {  	v30 =	vor.u32 v2, v52;
	v52 =	vor.u32 v0, v52  }
0x55: {  	s1 =	sadd.s32 $0x2, s28;
	[tilespmem:v29+s18+$0x0] =	vst.idx.msk $0xffff, v39;
	v7 =	vmov v38  }
0x56: {  	s0 =	sadd.s32 $0x1, s28;
	v55 =	vmov v40;
	v40 =	vmov s1;
	s1 =	sadd.s32 $0x4, s28;
	[tilespmem:v18+s18+$0x0] =	vst.idx.msk $0xffff, v56;
	v56 =	vmov v7;
	v7 =	vld [tilespmem:$0x1FEE0]  }
0x57: {  	s30 =	sadd.s32 $0x3, s28;
	v54 =	vmov v37;
	v37 =	vmov s0;
	v51 =	vmov s1;
	v35 =	vld.idx.msk [tilespmem:v35+s15+$0x0], $0xffff  }
0x58: {  	v57 =	vand.u32 $0x1F8, v40;
	v43 =	vmov s30;
	v46 =	vshll.u32 v37, $0x5  }
0x59: {  	v19 =	vmovc v42;
	v42 =	vshll.u32 v51, $0x5;
	v39 =	vor.u32 v0, v46;
	v41 =	vand.u32 $0x1F8, v37;
	v52 =	vld.idx.msk [tilespmem:v52+s15+$0x0], $0xffff  }
0x5a: {  	v37 =	vadd.s32 v6, v31;
	v21 =	vadd.s32 v10, v57;
	v49 =	vshll.u32 v40, $0x5  }
0x5b: {  	v29 =	vadd.s32 v8, v41;
	v22 =	vor.u32 v0, v49;
	v38 =	vshll.u32 v43, $0x5  }
0x5c: {  	v61 =	vand.u32 $0x1F8, v51;
	v24 =	vor.u32 v0, v38;
	[tilespmem:v28+s18+$0x0] =	vst.idx.msk $0xffff, v35;
	v35 =	vor.u32 v2, v46  }
0x5d: {  	v32 =	vor.u32 v2, v38;
	v38 =	vadd.s32 v15, v61;
	[tilespmem:v33+s18+$0x0] =	vst.idx.msk $0xffff, v44;
	v44 =	vld.idx.msk [tilespmem:v23+s15+$0x0], $0xffff  }
0x5e: {  	p0 =	slt.u32 s28, $0x1F8;
	v28 =	vand.u32 $0x1F8, v58;
	v23 =	vor.u32 v0, v53;
	v33 =	vadd.s32 v14, v61;
	[tilespmem:v7+s18+$0x0] =	vst.idx.msk $0xffff, v52;
	v7 =	vld [tilespmem:$0x1FF00]  }
.Ltmp0:
0x5f: {  	v51 =	vadd.s32 v16, v28;
	v40 =	vadd.s32 v17, v28;
	v28 =	vadd.s32 v9, v41;
	(pc) =	sbr.rel @p0 .LBB2_2-.Ltmp0, $4  }
0x60: {  	[tilespmem:v55+s18+$0x0] =	vst.idx.msk $0xffff, v63;
	v36 =	vand.u32 $0x1F8, v43;
	v43 =	vor.u32 v2, v49;
	v49 =	vor.u32 v0, v42  }
0x61: {  	v45 =	vor.u32 v2, v48;
	v48 =	vld.idx.msk [tilespmem:v26+s15+$0x0], $0xffff;
	v26 =	vor.u32 v2, v42;
	v42 =	vadd.s32 v11, v57  }
0x62: {  	v39 =	vld.idx.msk [tilespmem:v39+s15+$0x0], $0xffff;
	v27 =	vadd.s32 v12, v36;
	[tilespmem:v54+s18+$0x0] =	vst.idx.msk $0xffff, v44;
	v44 =	vadd.s32 v13, v36  }
0x63: {  	s28 =	sadd.s32 $0x8, s28;
	v36 =	vadd.s32 v4, v60;
	v46 =	vld.idx.msk [tilespmem:v34+s15+$0x0], $0xffff;
	v34 =	vor.u32 v2, v53;
	v41 =	vadd.s32 s26, v7;
	s26 =	smov.u32 s29  }
0x64: {  	_ =	sdelay $0x3  }
0x65: {  	[tilespmem:v51+s18+$0x0] =	vst.idx.msk $0xffff, v50;
	v49 =	vld.idx.msk [tilespmem:v49+s15+$0x0], $0xffff  }
0x66: {  	v18 =	vmov s26;
	v24 =	vld.idx.msk [tilespmem:v24+s15+$0x0], $0xffff;
	[tilespmem:v19+s18+$0x0] =	vst.idx.msk $0xffff, v47  }
0x67: {  	v55 =	vld.idx.msk [tilespmem:v30+s15+$0x0], $0xffff;
	v18 =	vshll.u32 v18, $0x5;
	[tilespmem:v56+s18+$0x0] =	vst.idx.msk $0xffff, v48  }
0x68: {  	v45 =	vld.idx.msk [tilespmem:v45+s15+$0x0], $0xffff;
	v56 =	vor.u32 v0, v18;
	[tilespmem:v29+s18+$0x0] =	vst.idx.msk $0xffff, v39  }
0x69: {  	v19 =	vld.idx.msk [tilespmem:v23+s15+$0x0], $0xffff;
	[tilespmem:v20+s18+$0x0] =	vst.idx.msk $0xffff, v46  }
0x6a: {  	v22 =	vld.idx.msk [tilespmem:v22+s15+$0x0], $0xffff;
	[tilespmem:v33+s18+$0x0] =	vst.idx.msk $0xffff, v49  }
0x6b: {  	v25 =	vld.idx.msk [tilespmem:v25+s15+$0x0], $0xffff;
	[tilespmem:v27+s18+$0x0] =	vst.idx.msk $0xffff, v24  }
0x6c: {  	v57 =	vld.idx.msk [tilespmem:v35+s15+$0x0], $0xffff;
	[tilespmem:v41+s18+$0x0] =	vst.idx.msk $0xffff, v55  }
0x6d: {  	v58 =	vadd.s32 s26, v1;
	[tilespmem:v36+s18+$0x0] =	vst.idx.msk $0xffff, v45;
	v59 =	vld.idx.msk [tilespmem:v56+s15+$0x0], $0xffff  }
0x6e: {  	[tilespmem:v37+s18+$0x0] =	vst.idx.msk $0xffff, v19  }
0x6f: {  	[tilespmem:v21+s18+$0x0] =	vst.idx.msk $0xffff, v22  }
0x70: {  	[tilespmem:v40+s18+$0x0] =	vst.idx.msk $0xffff, v25  }
0x71: {  	[tilespmem:v28+s18+$0x0] =	vst.idx.msk $0xffff, v57  }
0x72: {  	[tilespmem:v58+s18+$0x0] =	vst.idx.msk $0xffff, v59  }
0x73: {  	v18 =	vor.u32 v2, v18;
	v7 =	vld [tilespmem:$0x1FF00]  }
0x74: {  	v27 =	vld.idx.msk [tilespmem:v32+s15+$0x0], $0xffff  }
0x75: {  	v19 =	vadd.s32 v5, v31;
	v60 =	vld.idx.msk [tilespmem:v34+s15+$0x0], $0xffff  }
0x76: {  	v61 =	vld.idx.msk [tilespmem:v26+s15+$0x0], $0xffff  }
0x77: {  	v62 =	vld.idx.msk [tilespmem:v43+s15+$0x0], $0xffff  }
0x78: {  	v18 =	vld.idx.msk [tilespmem:v18+s15+$0x0], $0xffff;
	v63 =	vadd.s32 s26, v7  }
0x79: {  	[tilespmem:v44+s18+$0x0] =	vst.idx.msk $0xffff, v27  }
0x7a: {  	[tilespmem:v19+s18+$0x0] =	vst.idx.msk $0xffff, v60  }
0x7b: {  	[tilespmem:v38+s18+$0x0] =	vst.idx.msk $0xffff, v61  }
0x7c: {  	s29 =	simm.s32 $0x800;
	[tilespmem:v42+s18+$0x0] =	vst.idx.msk $0xffff, v62  }
0x7d: {  	s28 =	sadd.s32 $0x0, s7;
	s0 =	simm.s32 $0xE608;
	s26 =	simm.s32 $0xE400;
	[tilespmem:v63+s18+$0x0] =	vst.idx.msk $0xffff, v18  }
.LBB2_4:
0x7e: {  	[hbm4b:s28+s2] =	stream.linear.scatter [tilespmem:s26], [sflag:$0x3], $0x200, $0x38;
	[tilespmem:$0x16600] =	vst v63  }
0x7f: {  	s1 =	smov.u32 s29;
	s26 =	smov.u32 s0;
	p0 =	sne.s32 s29, $0xF800  }
.Ltmp1:
0x80: {  	s29 =	sadd.s32 $0x800, s29;
	(pc) =	sbr.rel @p0 .LBB2_4-.Ltmp1, $2  }
0x81: {  	_ =	sdelay $0x2  }
0x82: {  	s0 =	sadd.s32 $0x208, s0;
	s28 =	sadd.s32 s1, s7  }
0x83: {  	s0 =	simm.s32 $0x1;
	s1 =	simm.s32 $0x2;
	s29 =	simm.s32 $0x3  }
0x84: {  	s13 =	simm.s32 $0x4;
	s30 =	simm.s32 $0x5;
	s31 =	simm.s32 $0x7;
	v18 =	vmov s0;
	v19 =	vmov s1;
	v20 =	vmov s29  }
0x85: {  	v22 =	vmov s13;
	v23 =	vmov s30;
	v25 =	vmov s31  }
0x86: {  	v21 =	vshll.u32 v19, $0x5;
	v24 =	vshll.u32 v18, $0x5;
	v26 =	vshll.u32 v20, $0x5  }
0x87: {  	s13 =	simm.s32 $0x6;
	v27 =	vshll.u32 v25, $0x5;
	v25 =	vand.u32 $0x1F8, v25;
	v28 =	vshll.u32 v22, $0x5  }
0x88: {  	[hbm4b:s28+s2] =	stream.linear.scatter [tilespmem:s26], [sflag:$0x3], $0x200, $0x38;
	v29 =	vshll.u32 v23, $0x5;
	v33 =	vmov s13;
	v18 =	vand.u32 $0x1F8, v18;
	[tilespmem:$0x16600] =	vst v63  }
0x89: {  	_ =	swait.ge [sflag:s19], $0x4000;
	v20 =	vand.u32 $0x1F8, v20;
	v23 =	vand.u32 $0x1F8, v23;
	v30 =	vor.u32 v0, v27  }
0x8a: {  	[sflag:s19] =	ssyncset.done $0x0;
	v31 =	vor.u32 v0, v24;
	v35 =	vor.u32 v0, v29;
	v43 =	vor.u32 v2, v24  }
0x8b: {  	s31 =	simm.s32 $0xB;
	[sflag:s19] =	ssyncadd.s32 $0xFFFFC000;
	v24 =	vadd.s32 v16, v23;
	v57 =	vadd.s32 v17, v23;
	v23 =	vor.u32 v0, v28  }
0x8c: {  	v19 =	vand.u32 $0x1F8, v19;
	v42 =	vadd.s32 v12, v20;
	v20 =	vadd.s32 v13, v20;
	[tilespmem:s15], [sflag:$0x1] =	stream.indirect.gather [hbm4b:s3+s12], $0x20, s20, s12, $0xb8;
	[tilespmem:$0x16600] =	vst v63  }
0x8d: {  	v22 =	vand.u32 $0x1F8, v22;
	v46 =	vmov s31;
	v32 =	vor.u32 v0, v26;
	[tilespmem:$0x1FEB0] =	vst v20  }
0x8e: {  	v34 =	vor.u32 v0, v21;
	v36 =	vshll.u32 v33, $0x5;
	v63 =	vor.u32 v2, v26;
	v26 =	vld.idx.msk [tilespmem:v30+s17+$0x0], $0xffff  }
0x8f: {  	v38 =	vadd.s32 v3, v25;
	v44 =	vadd.s32 v14, v22;
	v56 =	vadd.s32 v15, v22;
	v22 =	vld.idx.msk [tilespmem:v35+s17+$0x0], $0xffff  }
0x90: {  	s30 =	simm.s32 $0xA;
	v33 =	vand.u32 $0x1F8, v33;
	v39 =	vadd.s32 v8, v18;
	v62 =	vor.u32 v0, v36;
	v23 =	vld.idx.msk [tilespmem:v23+s17+$0x0], $0xffff  }
0x91: {  	v27 =	vor.u32 v2, v27;
	v37 =	vadd.s32 v4, v25;
	v25 =	vld.idx.msk [tilespmem:v31+s17+$0x0], $0xffff;
	v35 =	vmov s30;
	s30 =	simm.s32 $0xF  }
0x92: {  	v29 =	vor.u32 v2, v29;
	v40 =	vadd.s32 v10, v19;
	v41 =	vmov s30  }
0x93: {  	s29 =	simm.s32 $0x0;
	v7 =	vor.u32 v2, v21;
	v45 =	vadd.s32 v9, v18;
	v31 =	vld.idx.msk [tilespmem:v32+s17+$0x0], $0xffff;
	v18 =	vshll.u32 v41, $0x5  }
0x94: {  	s26 =	simm.s32 $0x9;
	v52 =	vadd.s32 v6, v33;
	v30 =	vmov s29;
	v21 =	vld.idx.msk [tilespmem:v34+s17+$0x0], $0xffff;
	v58 =	vor.u32 v0, v18;
	[tilespmem:v38+s21+$0x0] =	vst.idx.msk $0xffff, v26  }
0x95: {  	v20 =	vadd.s32 v5, v33;
	v33 =	vmov s26;
	s26 =	simm.s32 $0xD;
	v51 =	vshll.u32 v30, $0x5;
	[tilespmem:v44+s21+$0x0] =	vst.idx.msk $0xffff, v23;
	v44 =	vld.idx.msk [tilespmem:v62+s17+$0x0], $0xffff  }
0x96: {  	v47 =	vor.u32 v2, v36;
	v36 =	vmov s26;
	v30 =	vor.u32 v2, v51;
	[tilespmem:v39+s21+$0x0] =	vst.idx.msk $0xffff, v25;
	v27 =	vld.idx.msk [tilespmem:v27+s17+$0x0], $0xffff  }
0x97: {  	s31 =	simm.s32 $0xE;
	v53 =	vand.u32 $0x1F8, v41;
	v51 =	vor.u32 v0, v51;
	[tilespmem:v24+s21+$0x0] =	vst.idx.msk $0xffff, v22;
	v38 =	vshll.u32 v36, $0x5;
	v43 =	vld.idx.msk [tilespmem:v43+s17+$0x0], $0xffff  }
0x98: {  	v25 =	vmov s31;
	[tilespmem:v42+s21+$0x0] =	vst.idx.msk $0xffff, v31;
	v42 =	vadd.s32 v3, v53;
	v59 =	vld.idx.msk [tilespmem:v29+s17+$0x0], $0xffff;
	v60 =	vor.u32 v0, v38  }
0x99: {  	[tilespmem:v40+s21+$0x0] =	vst.idx.msk $0xffff, v21;
	v62 =	vshll.u32 v25, $0x5;
	v31 =	vand.u32 $0x1F8, v25;
	v25 =	vor.u32 v2, v38;
	v38 =	vld.idx.msk [tilespmem:v58+s17+$0x0], $0xffff  }
0x9a: {  	[tilespmem:v52+s21+$0x0] =	vst.idx.msk $0xffff, v44  }
0x9b: {  	[tilespmem:v37+s21+$0x0] =	vst.idx.msk $0xffff, v27  }
0x9c: {  	v55 =	vshll.u32 v46, $0x5;
	v41 =	vld.idx.msk [tilespmem:v51+s17+$0x0], $0xffff;
	v58 =	vand.u32 $0x1F8, v46;
	v46 =	vand.u32 $0x1F8, v36;
	[tilespmem:v45+s21+$0x0] =	vst.idx.msk $0xffff, v43  }
0x9d: {  	v51 =	vadd.s32 v16, v46;
	v40 =	vadd.s32 v17, v46;
	v46 =	vld.idx.msk [tilespmem:v47+s17+$0x0], $0xffff;
	[tilespmem:v57+s21+$0x0] =	vst.idx.msk $0xffff, v59  }
0x9e: {  	v47 =	vld.idx.msk [tilespmem:v7+s17+$0x0], $0xffff;
	[tilespmem:v42+s21+$0x0] =	vst.idx.msk $0xffff, v38  }
0x9f: {  	v7 =	vld [tilespmem:$0x1FEB0];
	_ =	sdelay $0x1  }
0xa0: {  	v54 =	vadd.s32 s29, v1  }
0xa1: {  	v63 =	vld.idx.msk [tilespmem:v63+s17+$0x0], $0xffff  }
0xa2: {  	s13 =	simm.s32 $0xC;
	v48 =	vor.u32 v2, v28  }
0xa3: {  	v19 =	vadd.s32 v11, v19;
	v50 =	vmov s13;
	v32 =	vshll.u32 v33, $0x5  }
0xa4: {  	v49 =	vshll.u32 v35, $0x5;
	v34 =	vand.u32 $0x1F8, v35;
	v35 =	vor.u32 v2, v32  }
0xa5: {  	v61 =	vshll.u32 v50, $0x5;
	v39 =	vor.u32 v0, v32;
	v24 =	vor.u32 v0, v55;
	[tilespmem:v54+s21+$0x0] =	vst.idx.msk $0xffff, v41  }
0xa6: {  	v28 =	vand.u32 $0x1F8, v33;
	v22 =	vor.u32 v0, v49;
	v21 =	vadd.s32 v10, v34;
	[tilespmem:v7+s21+$0x0] =	vst.idx.msk $0xffff, v63  }
0xa7: {  	v26 =	vand.u32 $0x1F8, v50;
	v32 =	vor.u32 v2, v55;
	v29 =	vadd.s32 v8, v28;
	v7 =	vld [tilespmem:$0x1FF00]  }
0xa8: {  	v33 =	vadd.s32 v14, v26;
	v28 =	vadd.s32 v9, v28;
	v23 =	vor.u32 v0, v62  }
0xa9: {  	v36 =	vadd.s32 v4, v53;
	v44 =	vadd.s32 v13, v58;
	v37 =	vadd.s32 v6, v31;
	v50 =	vld.idx.msk [tilespmem:v60+s17+$0x0], $0xffff  }
0xaa: {  	v27 =	vadd.s32 v12, v58;
	v43 =	vor.u32 v2, v49;
	v49 =	vor.u32 v0, v61  }
0xab: {  	v48 =	vld.idx.msk [tilespmem:v48+s17+$0x0], $0xffff;
	v45 =	vor.u32 v2, v18;
	v38 =	vadd.s32 v15, v26;
	v26 =	vor.u32 v2, v61  }
0xac: {  	s28 =	simm.s32 $0x10;
	s26 =	simm.s32 $0x8;
	v39 =	vld.idx.msk [tilespmem:v39+s17+$0x0], $0xffff;
	v42 =	vadd.s32 v11, v34;
	v34 =	vor.u32 v2, v62;
	v41 =	vadd.s32 s29, v7  }
.LBB2_6:
0xad: {  	v7 =	vadd.s32 s26, v1;
	s31 =	sadd.s32 $0x5, s28  }
0xae: {  	[tilespmem:v51+s21+$0x0] =	vst.idx.msk $0xffff, v50;
	v58 =	vmov s31  }
0xaf: {  	v61 =	vld.idx.msk [tilespmem:v22+s17+$0x0], $0xffff;
	[tilespmem:v19+s21+$0x0] =	vst.idx.msk $0xffff, v47;
	v47 =	vshll.u32 v58, $0x5  }
0xb0: {  	v50 =	vld.idx.msk [tilespmem:v30+s17+$0x0], $0xffff;
	s29 =	smov.u32 s28;
	[tilespmem:$0x1FEA0] =	vst v7;
	v7 =	vmov v43;
	v18 =	vor.u32 v0, v47  }
0xb1: {  	s31 =	sadd.s32 $0x7, s29  }
0xb2: {  	v59 =	vld.idx.msk [tilespmem:v24+s17+$0x0], $0xffff;
	v24 =	vmov s31;
	[tilespmem:$0x1FE80] =	vst v7  }
0xb3: {  	v7 =	vmov v44;
	v44 =	vld.idx.msk [tilespmem:v49+s17+$0x0], $0xffff;
	[tilespmem:v56+s21+$0x0] =	vst.idx.msk $0xffff, v48;
	v48 =	vshll.u32 v24, $0x5  }
0xb4: {  	v62 =	vor.u32 v0, v48  }
0xb5: {  	[tilespmem:v41+s21+$0x0] =	vst.idx.msk $0xffff, v50;
	v50 =	vld.idx.msk [tilespmem:v18+s17+$0x0], $0xffff  }
0xb6: {  	s13 =	sadd.s32 $0x6, s28;
	v18 =	vld [tilespmem:$0x1FE80]  }
0xb7: {  	v31 =	vadd.s32 v5, v31;
	v63 =	vld.idx.msk [tilespmem:v25+s17+$0x0], $0xffff;
	v25 =	vmov s13  }
0xb8: {  	v45 =	vld.idx.msk [tilespmem:v45+s17+$0x0], $0xffff;
	v53 =	vshll.u32 v25, $0x5;
	v60 =	vand.u32 $0x1F8, v24;
	[tilespmem:v20+s21+$0x0] =	vst.idx.msk $0xffff, v46;
	v20 =	vmovc v31;
	v31 =	vand.u32 $0x1F8, v25  }
0xb9: {  	v25 =	vor.u32 v2, v47;
	[tilespmem:v27+s21+$0x0] =	vst.idx.msk $0xffff, v59;
	v59 =	vadd.s32 v3, v60;
	v47 =	vld.idx.msk [tilespmem:v62+s17+$0x0], $0xffff;
	_ =	sdelay $0x1  }
0xba: {  	[tilespmem:v21+s21+$0x0] =	vst.idx.msk $0xffff, v61  }
0xbb: {  	[tilespmem:$0x1FE90] =	vst v7  }
0xbc: {  	[tilespmem:v36+s21+$0x0] =	vst.idx.msk $0xffff, v45  }
0xbd: {  	[tilespmem:v59+s21+$0x0] =	vst.idx.msk $0xffff, v47;
	v47 =	vld.idx.msk [tilespmem:v18+s17+$0x0], $0xffff  }
0xbe: {  	v18 =	vld [tilespmem:$0x1FE90];
	_ =	sdelay $0x2  }
0xbf: {  	v56 =	vld.idx.msk [tilespmem:v32+s17+$0x0], $0xffff  }
0xc0: {  	v52 =	vmov s26  }
0xc1: {  	v52 =	vshll.u32 v52, $0x5  }
0xc2: {  	v30 =	vor.u32 v2, v52;
	v52 =	vor.u32 v0, v52  }
0xc3: {  	s1 =	sadd.s32 $0x2, s28;
	[tilespmem:v29+s21+$0x0] =	vst.idx.msk $0xffff, v39;
	v7 =	vmov v38  }
0xc4: {  	s0 =	sadd.s32 $0x1, s28;
	v55 =	vmov v40;
	v40 =	vmov s1;
	s1 =	sadd.s32 $0x4, s28;
	[tilespmem:v18+s21+$0x0] =	vst.idx.msk $0xffff, v56;
	v56 =	vmov v7;
	v7 =	vld [tilespmem:$0x1FEA0]  }
0xc5: {  	s30 =	sadd.s32 $0x3, s28;
	v54 =	vmov v37;
	v37 =	vmov s0;
	v51 =	vmov s1;
	v35 =	vld.idx.msk [tilespmem:v35+s17+$0x0], $0xffff  }
0xc6: {  	v57 =	vand.u32 $0x1F8, v40;
	v43 =	vmov s30;
	v46 =	vshll.u32 v37, $0x5  }
0xc7: {  	v19 =	vmovc v42;
	v42 =	vshll.u32 v51, $0x5;
	v39 =	vor.u32 v0, v46;
	v41 =	vand.u32 $0x1F8, v37;
	v52 =	vld.idx.msk [tilespmem:v52+s17+$0x0], $0xffff  }
0xc8: {  	v37 =	vadd.s32 v6, v31;
	v21 =	vadd.s32 v10, v57;
	v49 =	vshll.u32 v40, $0x5  }
0xc9: {  	v29 =	vadd.s32 v8, v41;
	v22 =	vor.u32 v0, v49;
	v38 =	vshll.u32 v43, $0x5  }
0xca: {  	v61 =	vand.u32 $0x1F8, v51;
	v24 =	vor.u32 v0, v38;
	[tilespmem:v28+s21+$0x0] =	vst.idx.msk $0xffff, v35;
	v35 =	vor.u32 v2, v46  }
0xcb: {  	v32 =	vor.u32 v2, v38;
	v38 =	vadd.s32 v15, v61;
	[tilespmem:v33+s21+$0x0] =	vst.idx.msk $0xffff, v44;
	v44 =	vld.idx.msk [tilespmem:v23+s17+$0x0], $0xffff  }
0xcc: {  	p0 =	slt.u32 s28, $0x1F8;
	v28 =	vand.u32 $0x1F8, v58;
	v23 =	vor.u32 v0, v53;
	v33 =	vadd.s32 v14, v61;
	[tilespmem:v7+s21+$0x0] =	vst.idx.msk $0xffff, v52;
	v7 =	vld [tilespmem:$0x1FF00]  }
.Ltmp2:
0xcd: {  	v51 =	vadd.s32 v16, v28;
	v40 =	vadd.s32 v17, v28;
	v28 =	vadd.s32 v9, v41;
	(pc) =	sbr.rel @p0 .LBB2_6-.Ltmp2, $4  }
0xce: {  	[tilespmem:v55+s21+$0x0] =	vst.idx.msk $0xffff, v63;
	v36 =	vand.u32 $0x1F8, v43;
	v43 =	vor.u32 v2, v49;
	v49 =	vor.u32 v0, v42  }
0xcf: {  	v45 =	vor.u32 v2, v48;
	v48 =	vld.idx.msk [tilespmem:v26+s17+$0x0], $0xffff;
	v26 =	vor.u32 v2, v42;
	v42 =	vadd.s32 v11, v57  }
0xd0: {  	v39 =	vld.idx.msk [tilespmem:v39+s17+$0x0], $0xffff;
	v27 =	vadd.s32 v12, v36;
	[tilespmem:v54+s21+$0x0] =	vst.idx.msk $0xffff, v44;
	v44 =	vadd.s32 v13, v36  }
0xd1: {  	s28 =	sadd.s32 $0x8, s28;
	v36 =	vadd.s32 v4, v60;
	v46 =	vld.idx.msk [tilespmem:v34+s17+$0x0], $0xffff;
	v34 =	vor.u32 v2, v53;
	v41 =	vadd.s32 s26, v7;
	s26 =	smov.u32 s29  }
0xd2: {  	_ =	sdelay $0x3  }
0xd3: {  	[tilespmem:v51+s21+$0x0] =	vst.idx.msk $0xffff, v50;
	v49 =	vld.idx.msk [tilespmem:v49+s17+$0x0], $0xffff  }
0xd4: {  	v18 =	vmov s26;
	v24 =	vld.idx.msk [tilespmem:v24+s17+$0x0], $0xffff;
	[tilespmem:v19+s21+$0x0] =	vst.idx.msk $0xffff, v47  }
0xd5: {  	v55 =	vld.idx.msk [tilespmem:v30+s17+$0x0], $0xffff;
	v18 =	vshll.u32 v18, $0x5;
	[tilespmem:v56+s21+$0x0] =	vst.idx.msk $0xffff, v48  }
0xd6: {  	v45 =	vld.idx.msk [tilespmem:v45+s17+$0x0], $0xffff;
	v56 =	vor.u32 v0, v18;
	[tilespmem:v29+s21+$0x0] =	vst.idx.msk $0xffff, v39  }
0xd7: {  	v19 =	vld.idx.msk [tilespmem:v23+s17+$0x0], $0xffff;
	[tilespmem:v20+s21+$0x0] =	vst.idx.msk $0xffff, v46  }
0xd8: {  	v22 =	vld.idx.msk [tilespmem:v22+s17+$0x0], $0xffff;
	[tilespmem:v33+s21+$0x0] =	vst.idx.msk $0xffff, v49  }
0xd9: {  	v25 =	vld.idx.msk [tilespmem:v25+s17+$0x0], $0xffff;
	[tilespmem:v27+s21+$0x0] =	vst.idx.msk $0xffff, v24  }
0xda: {  	v57 =	vld.idx.msk [tilespmem:v35+s17+$0x0], $0xffff;
	[tilespmem:v41+s21+$0x0] =	vst.idx.msk $0xffff, v55  }
0xdb: {  	v58 =	vadd.s32 s26, v1;
	[tilespmem:v36+s21+$0x0] =	vst.idx.msk $0xffff, v45;
	v59 =	vld.idx.msk [tilespmem:v56+s17+$0x0], $0xffff  }
0xdc: {  	[tilespmem:v37+s21+$0x0] =	vst.idx.msk $0xffff, v19  }
0xdd: {  	[tilespmem:v21+s21+$0x0] =	vst.idx.msk $0xffff, v22  }
0xde: {  	[tilespmem:v40+s21+$0x0] =	vst.idx.msk $0xffff, v25  }
0xdf: {  	[tilespmem:v28+s21+$0x0] =	vst.idx.msk $0xffff, v57  }
0xe0: {  	[tilespmem:v58+s21+$0x0] =	vst.idx.msk $0xffff, v59  }
0xe1: {  	v18 =	vor.u32 v2, v18;
	v7 =	vld [tilespmem:$0x1FF00]  }
0xe2: {  	v27 =	vld.idx.msk [tilespmem:v32+s17+$0x0], $0xffff  }
0xe3: {  	v19 =	vadd.s32 v5, v31;
	v60 =	vld.idx.msk [tilespmem:v34+s17+$0x0], $0xffff  }
0xe4: {  	v61 =	vld.idx.msk [tilespmem:v26+s17+$0x0], $0xffff  }
0xe5: {  	v62 =	vld.idx.msk [tilespmem:v43+s17+$0x0], $0xffff  }
0xe6: {  	v18 =	vld.idx.msk [tilespmem:v18+s17+$0x0], $0xffff;
	v63 =	vadd.s32 s26, v7  }
0xe7: {  	[tilespmem:v44+s21+$0x0] =	vst.idx.msk $0xffff, v27  }
0xe8: {  	[tilespmem:v19+s21+$0x0] =	vst.idx.msk $0xffff, v60  }
0xe9: {  	[tilespmem:v38+s21+$0x0] =	vst.idx.msk $0xffff, v61  }
0xea: {  	s28 =	simm.s32 $0x12500;
	s29 =	simm.s32 $0x800;
	[tilespmem:v42+s21+$0x0] =	vst.idx.msk $0xffff, v62  }
0xeb: {  	s1 =	sadd.s32 $0x0, s8;
	s0 =	simm.s32 $0x12708;
	s26 =	simm.s32 $0x0;
	[tilespmem:v63+s21+$0x0] =	vst.idx.msk $0xffff, v18  }
.LBB2_8:
0xec: {  	[hbm4b:s1+s26] =	stream.linear.scatter [tilespmem:s28], [sflag:$0x4], $0x200, $0x38;
	[tilespmem:$0x16600] =	vst v63  }
0xed: {  	s1 =	smov.u32 s29;
	s28 =	smov.u32 s0;
	p0 =	seq.s32 s29, $0xF800  }
.Ltmp3:
0xee: {  	s29 =	sadd.s32 $0x800, s29;
	(pc) =	sbr.rel @!p0 .LBB2_8-.Ltmp3, $2  }
0xef: {  	_ =	sdelay $0x2  }
0xf0: {  	s0 =	sadd.s32 $0x208, s0;
	s1 =	sadd.s32 s1, s8  }
0xf1: {  	[hbm4b:s1+s26] =	stream.linear.scatter [tilespmem:s28], [sflag:$0x4], $0x200, $0x38;
	[tilespmem:$0x16600] =	vst v63  }
.LBB2_11:
0xf2: {  	s0 =	simm.s32 $0x1;
	s1 =	simm.s32 $0x2;
	s28 =	simm.s32 $0x3  }
0xf3: {  	s13 =	simm.s32 $0x5;
	s31 =	simm.s32 $0x7;
	v18 =	vmov s0;
	v19 =	vmov s1;
	v20 =	vmov s28  }
0xf4: {  	s1 =	simm.s32 $0x4;
	v23 =	vmov s13;
	v25 =	vmov s31;
	v21 =	vshll.u32 v19, $0x5  }
0xf5: {  	s26 =	sadd.s32 $0x1, s26;
	v22 =	vmov s1;
	v24 =	vshll.u32 v18, $0x5;
	v26 =	vshll.u32 v20, $0x5  }
0xf6: {  	_ =	swait.ge [sflag:s16], $0x4000;
	s13 =	simm.s32 $0x6;
	s28 =	sshllo.u32 s26, $0x1;
	v27 =	vshll.u32 v25, $0x5;
	v25 =	vand.u32 $0x1F8, v25;
	v29 =	vshll.u32 v23, $0x5  }
0xf7: {  	[sflag:s16] =	ssyncset.done $0x0;
	v33 =	vmov s13;
	s31 =	sshll.u32 s28, $0x9;
	v18 =	vand.u32 $0x1F8, v18;
	v19 =	vand.u32 $0x1F8, v19  }
0xf8: {  	[sflag:s16] =	ssyncadd.s32 $0xFFFFC000;
	v20 =	vand.u32 $0x1F8, v20;
	v23 =	vand.u32 $0x1F8, v23;
	v30 =	vor.u32 v0, v27;
	s0 =	sand.u32 $0x3FFFFE00, s31  }
0xf9: {  	v28 =	vshll.u32 v22, $0x5;
	v31 =	vor.u32 v0, v24;
	v35 =	vor.u32 v0, v29;
	[tilespmem:s17], [sflag:$0x2] =	stream.indirect.gather [hbm4b:s3+s12], $0x20, s0, s12, $0xb8;
	[tilespmem:$0x16600] =	vst v63  }
0xfa: {  	v32 =	vor.u32 v0, v26;
	v34 =	vor.u32 v0, v21;
	v36 =	vshll.u32 v33, $0x5;
	_ =	swait.ge [sflag:s22], $0x4000  }
0xfb: {  	v38 =	vadd.s32 v3, v25;
	v39 =	vadd.s32 v8, v18;
	v7 =	vadd.s32 v17, v23;
	[sflag:s22] =	ssyncset.done $0x0  }
0xfc: {  	v43 =	vor.u32 v2, v24;
	v24 =	vadd.s32 v16, v23;
	v23 =	vor.u32 v0, v28;
	[tilespmem:$0x1FE70] =	vst v7;
	[sflag:s22] =	ssyncadd.s32 $0xFFFFC000  }
0xfd: {  	s13 =	simm.s32 $0xA;
	v22 =	vand.u32 $0x1F8, v22;
	v63 =	vor.u32 v2, v26;
	v45 =	vadd.s32 v9, v18;
	v26 =	vld.idx.msk [tilespmem:v30+s15+$0x0], $0xffff  }
0xfe: {  	v44 =	vadd.s32 v14, v22;
	v18 =	vadd.s32 v15, v22;
	v22 =	vld.idx.msk [tilespmem:v35+s15+$0x0], $0xffff;
	v35 =	vmov s13;
	s13 =	simm.s32 $0xC  }
0xff: {  	v27 =	vor.u32 v2, v27;
	v37 =	vadd.s32 v4, v25;
	v25 =	vld.idx.msk [tilespmem:v31+s15+$0x0], $0xffff;
	v50 =	vmov s13;
	s13 =	simm.s32 $0xF  }
0x100: {  	v33 =	vand.u32 $0x1F8, v33;
	v41 =	vadd.s32 v10, v19;
	v40 =	vmov s13  }
0x101: {  	v42 =	vadd.s32 v12, v20;
	v62 =	vor.u32 v0, v36;
	v23 =	vld.idx.msk [tilespmem:v23+s15+$0x0], $0xffff;
	v56 =	vshll.u32 v40, $0x5  }
0x102: {  	s1 =	simm.s32 $0x9;
	v53 =	vadd.s32 v13, v20;
	v52 =	vadd.s32 v6, v33;
	v31 =	vld.idx.msk [tilespmem:v32+s15+$0x0], $0xffff;
	v58 =	vor.u32 v0, v56  }
0x103: {  	v20 =	vadd.s32 v5, v33;
	v33 =	vmov s1;
	s1 =	simm.s32 $0xD;
	v7 =	vor.u32 v2, v21;
	v21 =	vld.idx.msk [tilespmem:v34+s15+$0x0], $0xffff;
	[tilespmem:v38+s18+$0x0] =	vst.idx.msk $0xffff, v26  }
0x104: {  	v47 =	vor.u32 v2, v36;
	v36 =	vmov s1;
	[tilespmem:v39+s18+$0x0] =	vst.idx.msk $0xffff, v25;
	v27 =	vld.idx.msk [tilespmem:v27+s15+$0x0], $0xffff  }
0x105: {  	s13 =	simm.s32 $0xE;
	v57 =	vand.u32 $0x1F8, v40;
	[tilespmem:v24+s18+$0x0] =	vst.idx.msk $0xffff, v22;
	v38 =	vshll.u32 v36, $0x5;
	v43 =	vld.idx.msk [tilespmem:v43+s15+$0x0], $0xffff  }
0x106: {  	v40 =	vadd.s32 v3, v57;
	v25 =	vmov s13;
	v60 =	vor.u32 v0, v38;
	[tilespmem:v44+s18+$0x0] =	vst.idx.msk $0xffff, v23;
	v44 =	vld.idx.msk [tilespmem:v62+s15+$0x0], $0xffff  }
0x107: {  	s29 =	simm.s32 $0xB;
	s31 =	simm.s32 $0x0;
	[tilespmem:v42+s18+$0x0] =	vst.idx.msk $0xffff, v31;
	v62 =	vshll.u32 v25, $0x5;
	v31 =	vand.u32 $0x1F8, v25;
	v25 =	vor.u32 v2, v38;
	v38 =	vld.idx.msk [tilespmem:v58+s15+$0x0], $0xffff  }
0x108: {  	v46 =	vmov s29;
	v30 =	vmov s31;
	[tilespmem:v41+s18+$0x0] =	vst.idx.msk $0xffff, v21  }
0x109: {  	v55 =	vshll.u32 v46, $0x5;
	v51 =	vshll.u32 v30, $0x5;
	[tilespmem:v37+s18+$0x0] =	vst.idx.msk $0xffff, v27  }
0x10a: {  	v32 =	vshll.u32 v33, $0x5;
	v30 =	vor.u32 v2, v51;
	v51 =	vor.u32 v0, v51;
	[tilespmem:v45+s18+$0x0] =	vst.idx.msk $0xffff, v43  }
0x10b: {  	v29 =	vor.u32 v2, v29;
	v49 =	vshll.u32 v35, $0x5;
	v39 =	vor.u32 v0, v32;
	[tilespmem:v52+s18+$0x0] =	vst.idx.msk $0xffff, v44  }
0x10c: {  	v61 =	vshll.u32 v50, $0x5;
	v24 =	vor.u32 v0, v55;
	v22 =	vor.u32 v0, v49;
	[tilespmem:v40+s18+$0x0] =	vst.idx.msk $0xffff, v38  }
0x10d: {  	v23 =	vor.u32 v0, v62;
	v43 =	vor.u32 v2, v49;
	v49 =	vor.u32 v0, v61;
	v0 =	vld [tilespmem:$0x1FE70]  }
0x10e: {  	v63 =	vld.idx.msk [tilespmem:v63+s15+$0x0], $0xffff  }
0x10f: {  	v54 =	vadd.s32 s31, v1;
	v42 =	vld.idx.msk [tilespmem:v51+s15+$0x0], $0xffff  }
0x110: {  	v48 =	vor.u32 v2, v28;
	v59 =	vld.idx.msk [tilespmem:v29+s15+$0x0], $0xffff;
	_ =	sdelay $0x2  }
0x111: {  	v19 =	vadd.s32 v11, v19;
	v34 =	vand.u32 $0x1F8, v35;
	[tilespmem:v53+s18+$0x0] =	vst.idx.msk $0xffff, v63  }
0x112: {  	v35 =	vor.u32 v2, v32;
	v21 =	vadd.s32 v10, v34;
	[tilespmem:v54+s18+$0x0] =	vst.idx.msk $0xffff, v42  }
0x113: {  	v28 =	vand.u32 $0x1F8, v33;
	v26 =	vand.u32 $0x1F8, v50;
	v32 =	vor.u32 v2, v55;
	v48 =	vld.idx.msk [tilespmem:v48+s15+$0x0], $0xffff;
	[tilespmem:v0+s18+$0x0] =	vst.idx.msk $0xffff, v59  }
0x114: {  	v29 =	vadd.s32 v8, v28;
	v33 =	vadd.s32 v14, v26;
	v28 =	vadd.s32 v9, v28;
	v0 =	vld [tilespmem:$0x1FF00]  }
0x115: {  	v58 =	vand.u32 $0x1F8, v46;
	v46 =	vand.u32 $0x1F8, v36;
	v36 =	vadd.s32 v4, v57;
	v39 =	vld.idx.msk [tilespmem:v39+s15+$0x0], $0xffff  }
0x116: {  	v51 =	vadd.s32 v16, v46;
	v41 =	vadd.s32 v17, v46;
	v37 =	vadd.s32 v6, v31;
	v50 =	vld.idx.msk [tilespmem:v60+s15+$0x0], $0xffff  }
0x117: {  	v27 =	vadd.s32 v12, v58;
	v44 =	vadd.s32 v13, v58;
	v45 =	vor.u32 v2, v56;
	v46 =	vld.idx.msk [tilespmem:v47+s15+$0x0], $0xffff  }
0x118: {  	v47 =	vld.idx.msk [tilespmem:v7+s15+$0x0], $0xffff;
	v7 =	vlaneseq.u32;
	v38 =	vadd.s32 v15, v26;
	v26 =	vor.u32 v2, v61  }
0x119: {  	s30 =	simm.s32 $0x10;
	s29 =	simm.s32 $0x8;
	v6 =	vmovc v3;
	v40 =	vadd.s32 v11, v34;
	v34 =	vor.u32 v2, v62;
	v42 =	vadd.s32 s31, v0;
	v0 =	vmovc v4  }
.LBB2_12:
0x11a: {  	v1 =	vld [tilespmem:$0x1FF10]  }
0x11b: {  	s0 =	sadd.s32 $0x1, s30;
	[tilespmem:v51+s18+$0x0] =	vst.idx.msk $0xffff, v50;
	v50 =	vld.idx.msk [tilespmem:v30+s15+$0x0], $0xffff  }
0x11c: {  	s1 =	sadd.s32 $0x2, s30;
	s13 =	sadd.s32 $0x3, s30;
	v52 =	vmov s29;
	v54 =	vmovc v37;
	v57 =	vmov v44;
	v44 =	vld.idx.msk [tilespmem:v49+s15+$0x0], $0xffff;
	v37 =	vmov s0  }
0x11d: {  	v55 =	vmovc v41;
	v56 =	vmovc v43;
	v59 =	vld.idx.msk [tilespmem:v24+s15+$0x0], $0xffff;
	v41 =	vmov s1;
	v43 =	vmov s13;
	s1 =	sadd.s32 $0x5, s30;
	v52 =	vshll.u32 v52, $0x5  }
0x11e: {  	s31 =	smov.u32 s30;
	v61 =	vld.idx.msk [tilespmem:v22+s15+$0x0], $0xffff;
	s13 =	sadd.s32 $0x6, s30;
	v49 =	vshll.u32 v41, $0x5;
	v58 =	vmov s1;
	v30 =	vor.u32 v2, v52  }
0x11f: {  	v63 =	vld.idx.msk [tilespmem:v25+s15+$0x0], $0xffff;
	s1 =	sadd.s32 $0x7, s31;
	v25 =	vmov s13;
	v52 =	vor.u32 v7, v52;
	v5 =	vand.u32 $0x1F8, v41;
	[tilespmem:v20+s18+$0x0] =	vst.idx.msk $0xffff, v46  }
0x120: {  	v24 =	vmov s1;
	v22 =	vor.u32 v7, v49;
	[tilespmem:v18+s18+$0x0] =	vst.idx.msk $0xffff, v48;
	v53 =	vadd.s32 s29, v1;
	v1 =	vld [tilespmem:$0x1FFD0]  }
0x121: {  	v3 =	vshll.u32 v25, $0x5;
	v46 =	vshll.u32 v37, $0x5;
	v18 =	vmovc v38;
	v38 =	vshll.u32 v43, $0x5;
	[tilespmem:v19+s18+$0x0] =	vst.idx.msk $0xffff, v47  }
0x122: {  	v45 =	vld.idx.msk [tilespmem:v45+s15+$0x0], $0xffff;
	v48 =	vshll.u32 v24, $0x5;
	v60 =	vand.u32 $0x1F8, v24;
	v19 =	vmovc v40;
	v47 =	vshll.u32 v58, $0x5;
	[tilespmem:v29+s18+$0x0] =	vst.idx.msk $0xffff, v39  }
0x123: {  	s0 =	sadd.s32 $0x4, s30;
	v62 =	vor.u32 v7, v48;
	v39 =	vor.u32 v7, v46;
	v35 =	vld.idx.msk [tilespmem:v35+s15+$0x0], $0xffff;
	[tilespmem:v33+s18+$0x0] =	vst.idx.msk $0xffff, v44  }
0x124: {  	v51 =	vmov s0;
	v24 =	vor.u32 v7, v38;
	v44 =	vld.idx.msk [tilespmem:v23+s15+$0x0], $0xffff;
	[tilespmem:v27+s18+$0x0] =	vst.idx.msk $0xffff, v59;
	v23 =	vor.u32 v7, v3  }
0x125: {  	v40 =	vshll.u32 v51, $0x5;
	[tilespmem:v42+s18+$0x0] =	vst.idx.msk $0xffff, v50;
	v31 =	vadd.s32 v1, v31;
	v1 =	vor.u32 v7, v47  }
0x126: {  	v59 =	vadd.s32 v6, v60;
	v42 =	vand.u32 $0x1F8, v37;
	v27 =	vld [tilespmem:$0x1FFC0];
	[tilespmem:v21+s18+$0x0] =	vst.idx.msk $0xffff, v61;
	v61 =	vand.u32 $0x1F8, v51  }
0x127: {  	v21 =	vadd.s32 v10, v5;
	v4 =	vld.idx.msk [tilespmem:v32+s15+$0x0], $0xffff;
	v29 =	vadd.s32 v8, v42;
	v33 =	vadd.s32 v14, v61  }
0x128: {  	v32 =	vor.u32 v2, v38;
	v38 =	vadd.s32 v15, v61;
	v52 =	vld.idx.msk [tilespmem:v52+s15+$0x0], $0xffff;
	[tilespmem:v28+s18+$0x0] =	vst.idx.msk $0xffff, v35  }
0x129: {  	[tilespmem:v54+s18+$0x0] =	vst.idx.msk $0xffff, v44;
	v20 =	vmov v31;
	v31 =	vand.u32 $0x1F8, v25;
	v25 =	vor.u32 v2, v47;
	v47 =	vld.idx.msk [tilespmem:v62+s15+$0x0], $0xffff  }
0x12a: {  	v35 =	vor.u32 v2, v46;
	v28 =	vand.u32 $0x1F8, v58;
	[tilespmem:v36+s18+$0x0] =	vst.idx.msk $0xffff, v45;
	v36 =	vand.u32 $0x1F8, v43;
	v50 =	vld.idx.msk [tilespmem:v1+s15+$0x0], $0xffff  }
0x12b: {  	p0 =	slt.u32 s30, $0x1F8;
	v51 =	vadd.s32 v16, v28;
	v41 =	vadd.s32 v17, v28;
	v43 =	vor.u32 v2, v49;
	v1 =	vld [tilespmem:$0x1FF00]  }
.Ltmp4:
0x12c: {  	v49 =	vor.u32 v7, v40;
	v45 =	vor.u32 v2, v48;
	v28 =	vadd.s32 v9, v42;
	(pc) =	sbr.rel @p0 .LBB2_12-.Ltmp4, $4  }
0x12d: {  	v48 =	vld.idx.msk [tilespmem:v26+s15+$0x0], $0xffff;
	v26 =	vor.u32 v2, v40;
	[tilespmem:v57+s18+$0x0] =	vst.idx.msk $0xffff, v4;
	v40 =	vadd.s32 v11, v5  }
0x12e: {  	v46 =	vld.idx.msk [tilespmem:v34+s15+$0x0], $0xffff;
	v34 =	vor.u32 v2, v3;
	v37 =	vadd.s32 v27, v31;
	[tilespmem:v53+s18+$0x0] =	vst.idx.msk $0xffff, v52  }
0x12f: {  	v39 =	vld.idx.msk [tilespmem:v39+s15+$0x0], $0xffff;
	v27 =	vadd.s32 v12, v36;
	v44 =	vadd.s32 v13, v36;
	[tilespmem:v55+s18+$0x0] =	vst.idx.msk $0xffff, v63  }
0x130: {  	s30 =	sadd.s32 $0x8, s30;
	v36 =	vadd.s32 v0, v60;
	[tilespmem:v59+s18+$0x0] =	vst.idx.msk $0xffff, v47;
	v47 =	vld.idx.msk [tilespmem:v56+s15+$0x0], $0xffff;
	v42 =	vadd.s32 s29, v1;
	s29 =	smov.u32 s31  }
0x131: {  	_ =	sdelay $0x3  }
0x132: {  	[tilespmem:v51+s18+$0x0] =	vst.idx.msk $0xffff, v50;
	v3 =	vld.idx.msk [tilespmem:v49+s15+$0x0], $0xffff  }
0x133: {  	v4 =	vld.idx.msk [tilespmem:v24+s15+$0x0], $0xffff;
	[tilespmem:v18+s18+$0x0] =	vst.idx.msk $0xffff, v48  }
0x134: {  	[tilespmem:v20+s18+$0x0] =	vst.idx.msk $0xffff, v46  }
0x135: {  	[tilespmem:v29+s18+$0x0] =	vst.idx.msk $0xffff, v39  }
0x136: {  	v5 =	vld.idx.msk [tilespmem:v30+s15+$0x0], $0xffff;
	[tilespmem:v19+s18+$0x0] =	vst.idx.msk $0xffff, v47  }
0x137: {  	v1 =	vmov s29;
	v55 =	vld.idx.msk [tilespmem:v45+s15+$0x0], $0xffff;
	[tilespmem:v33+s18+$0x0] =	vst.idx.msk $0xffff, v3  }
0x138: {  	v56 =	vld.idx.msk [tilespmem:v23+s15+$0x0], $0xffff;
	v1 =	vshll.u32 v1, $0x5;
	[tilespmem:v27+s18+$0x0] =	vst.idx.msk $0xffff, v4  }
0x139: {  	v54 =	vor.u32 v7, v1;
	v0 =	vld [tilespmem:$0x1FF10];
	_ =	sdelay $0x1  }
0x13a: {  	v22 =	vld.idx.msk [tilespmem:v22+s15+$0x0], $0xffff  }
0x13b: {  	v3 =	vld.idx.msk [tilespmem:v35+s15+$0x0], $0xffff;
	[tilespmem:v42+s18+$0x0] =	vst.idx.msk $0xffff, v5  }
0x13c: {  	v59 =	vld.idx.msk [tilespmem:v25+s15+$0x0], $0xffff;
	[tilespmem:v36+s18+$0x0] =	vst.idx.msk $0xffff, v55  }
0x13d: {  	[tilespmem:v37+s18+$0x0] =	vst.idx.msk $0xffff, v56;
	v58 =	vld.idx.msk [tilespmem:v54+s15+$0x0], $0xffff;
	v57 =	vadd.s32 s29, v0  }
0x13e: {  	v0 =	vld [tilespmem:$0x1FFD0]  }
0x13f: {  	[tilespmem:v21+s18+$0x0] =	vst.idx.msk $0xffff, v22  }
0x140: {  	[tilespmem:v28+s18+$0x0] =	vst.idx.msk $0xffff, v3  }
0x141: {  	[tilespmem:v41+s18+$0x0] =	vst.idx.msk $0xffff, v59  }
0x142: {  	[tilespmem:v57+s18+$0x0] =	vst.idx.msk $0xffff, v58  }
0x143: {  	v1 =	vor.u32 v2, v1;
	v61 =	vadd.s32 v0, v31;
	v0 =	vld [tilespmem:$0x1FF00]  }
0x144: {  	v60 =	vld.idx.msk [tilespmem:v32+s15+$0x0], $0xffff  }
0x145: {  	v3 =	vld.idx.msk [tilespmem:v26+s15+$0x0], $0xffff  }
0x146: {  	v22 =	vld.idx.msk [tilespmem:v43+s15+$0x0], $0xffff  }
0x147: {  	v62 =	vld.idx.msk [tilespmem:v34+s15+$0x0], $0xffff  }
0x148: {  	v1 =	vld.idx.msk [tilespmem:v1+s15+$0x0], $0xffff;
	v63 =	vadd.s32 s29, v0  }
0x149: {  	s0 =	sshll.u32 s26, $0x14;
	[tilespmem:v44+s18+$0x0] =	vst.idx.msk $0xffff, v60  }
0x14a: {  	s0 =	sor.u32 s4, s0;
	[tilespmem:v38+s18+$0x0] =	vst.idx.msk $0xffff, v3  }
0x14b: {  	s0 =	sshrl.u32 s0, $0x3;
	[tilespmem:v40+s18+$0x0] =	vst.idx.msk $0xffff, v22  }
0x14c: {  	s1 =	simm.s32 $0xE608;
	s31 =	sadd.s32 s5, s0;
	[tilespmem:v61+s18+$0x0] =	vst.idx.msk $0xffff, v62  }
0x14d: {  	s0 =	simm.s32 $0x800;
	s30 =	sadd.s32 $0x0, s31;
	s29 =	simm.s32 $0xE400;
	v0 =	vlaneseq.u32;
	[tilespmem:v63+s18+$0x0] =	vst.idx.msk $0xffff, v1  }
.LBB2_14:
0x14e: {  	[hbm4b:s30+s2] =	stream.linear.scatter [tilespmem:s29], [sflag:$0x3], $0x200, $0x38;
	[tilespmem:$0x16600] =	vst v63  }
0x14f: {  	s13 =	smov.u32 s0;
	s29 =	smov.u32 s1;
	p0 =	sne.s32 s0, $0xF800  }
.Ltmp5:
0x150: {  	s0 =	sadd.s32 $0x800, s0;
	(pc) =	sbr.rel @p0 .LBB2_14-.Ltmp5, $2  }
0x151: {  	_ =	sdelay $0x2  }
0x152: {  	s1 =	sadd.s32 $0x208, s1;
	s30 =	sadd.s32 s13, s31  }
0x153: {  	s1 =	simm.s32 $0x2  }
0x154: {  	[hbm4b:s30+s2] =	stream.linear.scatter [tilespmem:s29], [sflag:$0x3], $0x200, $0x38;
	[tilespmem:$0x16600] =	vst v63  }
0x155: {  	v3 =	vmov s1;
	s1 =	simm.s32 $0x4;
	_ =	swait.ge [sflag:s19], $0x4000  }
0x156: {  	s0 =	simm.s32 $0x1;
	v18 =	vmov s1;
	s1 =	sshll.u32 s26, $0xA;
	v59 =	vld [tilespmem:$0x1FFE0]  }
0x157: {  	v1 =	vmov s0;
	[sflag:s19] =	ssyncset.done $0x0;
	v62 =	vld [tilespmem:$0x1FF20];
	s0 =	sand.u32 $0x3FFFFC00, s1  }
0x158: {  	v63 =	vld [tilespmem:$0x1FFC0];
	[sflag:s19] =	ssyncadd.s32 $0xFFFFC000;
	s0 =	sadd.s32 $0x400, s0  }
0x159: {  	v38 =	vld [tilespmem:$0x1FF40];
	[tilespmem:s15], [sflag:$0x1] =	stream.indirect.gather [hbm4b:s3+s12], $0x20, s0, s12, $0xb8  }
0x15a: {  	s13 =	simm.s32 $0x3;
	s31 =	simm.s32 $0x5;
	v33 =	vld [tilespmem:$0x1FF60];
	_ =	swait.ge [sflag:s23], $0x4000  }
0x15b: {  	v4 =	vmov s13;
	s13 =	simm.s32 $0x7;
	v19 =	vmov s31;
	v5 =	vshll.u32 v3, $0x5;
	v36 =	vld [tilespmem:$0x1FF80]  }
0x15c: {  	v20 =	vshll.u32 v1, $0x5;
	v21 =	vmov s13;
	v22 =	vshll.u32 v4, $0x5;
	v43 =	vld [tilespmem:$0x1FFA0]  }
0x15d: {  	s31 =	simm.s32 $0x6;
	v25 =	vshll.u32 v19, $0x5;
	v30 =	vor.u32 v0, v5;
	v12 =	vor.u32 v2, v5;
	v5 =	vld [tilespmem:$0x1FF70]  }
0x15e: {  	v29 =	vmov s31;
	v1 =	vand.u32 $0x1F8, v1;
	v23 =	vshll.u32 v21, $0x5;
	v56 =	vld [tilespmem:$0x1FFB0]  }
0x15f: {  	v3 =	vand.u32 $0x1F8, v3;
	v4 =	vand.u32 $0x1F8, v4;
	v26 =	vor.u32 v0, v23;
	v42 =	vld [tilespmem:$0x1FF90]  }
0x160: {  	v24 =	vshll.u32 v18, $0x5;
	v27 =	vor.u32 v0, v20;
	v31 =	vor.u32 v0, v25;
	v52 =	vld [tilespmem:$0x1FF50]  }
0x161: {  	v28 =	vor.u32 v0, v22;
	v32 =	vshll.u32 v29, $0x5;
	v7 =	vor.u32 v2, v22;
	v9 =	vld [tilespmem:$0x1FF10]  }
0x162: {  	v10 =	vor.u32 v0, v32;
	v22 =	vor.u32 v0, v24;
	[sflag:s23] =	ssyncset.done $0x0;
	v47 =	vld [tilespmem:$0x1FFF0];
	v0 =	vadd.s32 v5, v4  }
0x163: {  	v19 =	vand.u32 $0x1F8, v19;
	v21 =	vand.u32 $0x1F8, v21;
	v37 =	vadd.s32 v33, v4;
	[sflag:s23] =	ssyncadd.s32 $0xFFFFC000;
	v4 =	vld [tilespmem:$0x1FF30];
	[tilespmem:$0x1FE50] =	vst v0  }
0x164: {  	v18 =	vand.u32 $0x1F8, v18;
	v23 =	vor.u32 v2, v23;
	v34 =	vadd.s32 v59, v21;
	v26 =	vld.idx.msk [tilespmem:v26+s17+$0x0], $0xffff  }
0x165: {  	s31 =	simm.s32 $0x0;
	v35 =	vadd.s32 v62, v1;
	v16 =	vadd.s32 v38, v3;
	v41 =	vadd.s32 v43, v19;
	v31 =	vld.idx.msk [tilespmem:v31+s17+$0x0], $0xffff  }
0x166: {  	s13 =	simm.s32 $0xB;
	v14 =	vadd.s32 v56, v19;
	v19 =	vadd.s32 v52, v3;
	v9 =	vadd.s32 s31, v9;
	v3 =	vld.idx.msk [tilespmem:v27+s17+$0x0], $0xffff  }
0x167: {  	v39 =	vor.u32 v2, v20;
	v44 =	vor.u32 v2, v32;
	v32 =	vmov s13;
	s13 =	simm.s32 $0xF;
	[tilespmem:$0x1FE60] =	vst v9;
	v9 =	vld [tilespmem:$0x1FFD0]  }
0x168: {  	v40 =	vadd.s32 v36, v18;
	v45 =	vld.idx.msk [tilespmem:v22+s17+$0x0], $0xffff;
	v22 =	vmov s13  }
0x169: {  	v6 =	vlaneseq.u32;
	v25 =	vor.u32 v2, v25;
	v28 =	vld.idx.msk [tilespmem:v28+s17+$0x0], $0xffff;
	v53 =	vshll.u32 v22, $0x5;
	[tilespmem:v34+s21+$0x0] =	vst.idx.msk $0xffff, v26  }
0x16a: {  	v50 =	vld.idx.msk [tilespmem:v30+s17+$0x0], $0xffff;
	v55 =	vor.u32 v6, v53;
	[tilespmem:v41+s21+$0x0] =	vst.idx.msk $0xffff, v31  }
0x16b: {  	v21 =	vadd.s32 v47, v21;
	[tilespmem:v35+s21+$0x0] =	vst.idx.msk $0xffff, v3;
	v41 =	vld.idx.msk [tilespmem:v23+s17+$0x0], $0xffff  }
0x16c: {  	v29 =	vand.u32 $0x1F8, v29;
	v1 =	vadd.s32 v4, v1;
	v35 =	vld.idx.msk [tilespmem:v39+s17+$0x0], $0xffff  }
0x16d: {  	v8 =	vadd.s32 v63, v29;
	[tilespmem:v40+s21+$0x0] =	vst.idx.msk $0xffff, v45;
	v45 =	vld.idx.msk [tilespmem:v10+s17+$0x0], $0xffff  }
0x16e: {  	v54 =	vand.u32 $0x1F8, v22;
	v3 =	vld.idx.msk [tilespmem:v25+s17+$0x0], $0xffff;
	[tilespmem:v37+s21+$0x0] =	vst.idx.msk $0xffff, v28  }
0x16f: {  	v28 =	vadd.s32 v59, v54;
	[tilespmem:v16+s21+$0x0] =	vst.idx.msk $0xffff, v50;
	v55 =	vld.idx.msk [tilespmem:v55+s17+$0x0], $0xffff  }
0x170: {  	s1 =	simm.s32 $0xA;
	[tilespmem:v21+s21+$0x0] =	vst.idx.msk $0xffff, v41  }
0x171: {  	v20 =	vadd.s32 v9, v29;
	v29 =	vmov s1;
	s1 =	simm.s32 $0xD;
	[tilespmem:v1+s21+$0x0] =	vst.idx.msk $0xffff, v35  }
0x172: {  	v26 =	vmov s1;
	[tilespmem:v8+s21+$0x0] =	vst.idx.msk $0xffff, v45  }
0x173: {  	v51 =	vshll.u32 v26, $0x5;
	[tilespmem:v14+s21+$0x0] =	vst.idx.msk $0xffff, v3  }
0x174: {  	v39 =	vor.u32 v6, v51;
	v1 =	vand.u32 $0x1F8, v26;
	[tilespmem:v28+s21+$0x0] =	vst.idx.msk $0xffff, v55  }
0x175: {  	v25 =	vor.u32 v2, v51;
	v51 =	vadd.s32 v43, v1;
	v41 =	vadd.s32 v56, v1;
	v1 =	vld [tilespmem:$0x1FE50];
	_ =	sdelay $0x2  }
0x176: {  	v59 =	vld.idx.msk [tilespmem:v7+s17+$0x0], $0xffff;
	_ =	sdelay $0x1  }
0x177: {  	v0 =	vor.u32 v2, v24;
	v24 =	vmov s31  }
0x178: {  	v31 =	vshll.u32 v24, $0x5  }
0x179: {  	v58 =	vor.u32 v6, v31  }
0x17a: {  	[tilespmem:v1+s21+$0x0] =	vst.idx.msk $0xffff, v59  }
0x17b: {  	v1 =	vld [tilespmem:$0x1FE60]  }
0x17c: {  	s0 =	simm.s32 $0x9  }
0x17d: {  	v49 =	vshll.u32 v32, $0x5;
	v18 =	vadd.s32 v42, v18;
	v27 =	vmov s0;
	s0 =	simm.s32 $0xC  }
0x17e: {  	v48 =	vmov s0;
	v60 =	vand.u32 $0x1F8, v27;
	v34 =	vshll.u32 v27, $0x5;
	v58 =	vld.idx.msk [tilespmem:v58+s17+$0x0], $0xffff  }
0x17f: {  	s13 =	simm.s32 $0xE;
	v24 =	vor.u32 v6, v49;
	v46 =	vshll.u32 v29, $0x5;
	v11 =	vor.u32 v6, v34  }
0x180: {  	v17 =	vmovc v33;
	v30 =	vor.u32 v2, v31;
	v23 =	vmov s13;
	v40 =	vshll.u32 v48, $0x5  }
0x181: {  	v13 =	vmovc v43;
	v15 =	vmovc v5;
	v61 =	vand.u32 $0x1F8, v29;
	v29 =	vadd.s32 v62, v60;
	v62 =	vand.u32 $0x1F8, v32  }
0x182: {  	v9 =	vmovc v56;
	v10 =	vmovc v63;
	v32 =	vor.u32 v2, v49;
	v22 =	vor.u32 v6, v46;
	v31 =	vand.u32 $0x1F8, v23  }
0x183: {  	v57 =	vshll.u32 v23, $0x5;
	v37 =	vadd.s32 v63, v31;
	v63 =	vand.u32 $0x1F8, v48;
	v48 =	vld.idx.msk [tilespmem:v0+s17+$0x0], $0xffff;
	[tilespmem:v1+s21+$0x0] =	vst.idx.msk $0xffff, v58  }
0x184: {  	v16 =	vmovc v38;
	v27 =	vadd.s32 v33, v62;
	v49 =	vor.u32 v6, v40;
	v23 =	vor.u32 v6, v57;
	v1 =	vld [tilespmem:$0x1FF00]  }
0x185: {  	v7 =	vmovc v36;
	v0 =	vmov v47;
	v33 =	vadd.s32 v36, v63;
	v36 =	vadd.s32 v47, v54;
	v47 =	vld.idx.msk [tilespmem:v12+s17+$0x0], $0xffff  }
0x186: {  	v12 =	vmovc v52;
	v21 =	vadd.s32 v38, v61;
	v35 =	vor.u32 v2, v34;
	v45 =	vor.u32 v2, v53  }
0x187: {  	v38 =	vadd.s32 v42, v63;
	v26 =	vor.u32 v2, v40;
	v43 =	vor.u32 v2, v46;
	v46 =	vld.idx.msk [tilespmem:v44+s17+$0x0], $0xffff  }
0x188: {  	v40 =	vadd.s32 v52, v61;
	v34 =	vor.u32 v2, v57;
	v44 =	vadd.s32 v5, v62;
	v50 =	vld.idx.msk [tilespmem:v39+s17+$0x0], $0xffff  }
0x189: {  	s29 =	simm.s32 $0x8;
	s30 =	simm.s32 $0x10;
	v8 =	vmovc v4;
	v39 =	vld.idx.msk [tilespmem:v11+s17+$0x0], $0xffff;
	v28 =	vadd.s32 v4, v60;
	v11 =	vmovc v42;
	v14 =	vmov v1;
	v42 =	vadd.s32 s31, v1  }
.LBB2_16:
0x18a: {  	v3 =	vld [tilespmem:$0x1FF10]  }
0x18b: {  	v4 =	vld [tilespmem:$0x1FFD0]  }
0x18c: {  	s1 =	sadd.s32 $0x2, s30;
	v5 =	vld.idx.msk [tilespmem:v30+s17+$0x0], $0xffff  }
0x18d: {  	s0 =	sadd.s32 $0x1, s30;
	v1 =	vmov s29;
	v52 =	vmovc v37;
	v53 =	vmov v41;
	v45 =	vld.idx.msk [tilespmem:v45+s17+$0x0], $0xffff;
	v41 =	vmov s1;
	[tilespmem:v51+s21+$0x0] =	vst.idx.msk $0xffff, v50  }
0x18e: {  	s13 =	sadd.s32 $0x3, s30;
	v54 =	vmovc v43;
	v55 =	vmovc v44;
	v37 =	vmov s0;
	v1 =	vshll.u32 v1, $0x5;
	v44 =	vshll.u32 v41, $0x5;
	v51 =	vld.idx.msk [tilespmem:v24+s17+$0x0], $0xffff;
	[tilespmem:v20+s21+$0x0] =	vst.idx.msk $0xffff, v46  }
0x18f: {  	s31 =	smov.u32 s30;
	v43 =	vmov s13;
	s1 =	sadd.s32 $0x5, s30;
	v30 =	vor.u32 v2, v1;
	v1 =	vor.u32 v6, v1;
	v46 =	vld.idx.msk [tilespmem:v22+s17+$0x0], $0xffff;
	[tilespmem:v19+s21+$0x0] =	vst.idx.msk $0xffff, v47  }
0x190: {  	s0 =	sadd.s32 $0x4, s30;
	v50 =	vmov s1;
	s1 =	sadd.s32 $0x7, s31;
	[tilespmem:v29+s21+$0x0] =	vst.idx.msk $0xffff, v39;
	v22 =	vor.u32 v6, v44;
	v4 =	vadd.s32 v4, v31;
	v31 =	vld.idx.msk [tilespmem:v49+s17+$0x0], $0xffff  }
0x191: {  	s13 =	sadd.s32 $0x6, s30;
	v3 =	vadd.s32 s29, v3;
	v49 =	vmov s0;
	v24 =	vmov s1;
	v58 =	vld.idx.msk [tilespmem:v25+s17+$0x0], $0xffff  }
0x192: {  	[tilespmem:v18+s21+$0x0] =	vst.idx.msk $0xffff, v48;
	v18 =	vmovc v38;
	v38 =	vshll.u32 v43, $0x5;
	v47 =	vshll.u32 v50, $0x5;
	v35 =	vld.idx.msk [tilespmem:v35+s17+$0x0], $0xffff;
	v25 =	vmov s13  }
0x193: {  	v60 =	vld.idx.msk [tilespmem:v23+s17+$0x0], $0xffff;
	[tilespmem:v42+s21+$0x0] =	vst.idx.msk $0xffff, v5;
	v5 =	vand.u32 $0x1F8, v37;
	v42 =	vand.u32 $0x1F8, v41;
	v20 =	vmovc v4;
	v4 =	vshll.u32 v37, $0x5  }
0x194: {  	v48 =	vshll.u32 v24, $0x5;
	v56 =	vand.u32 $0x1F8, v24;
	v59 =	vor.u32 v6, v47;
	v1 =	vld.idx.msk [tilespmem:v1+s17+$0x0], $0xffff;
	[tilespmem:v27+s21+$0x0] =	vst.idx.msk $0xffff, v51  }
0x195: {  	v19 =	vmovc v40;
	v40 =	vshll.u32 v49, $0x5;
	v24 =	vor.u32 v6, v38;
	v61 =	vshll.u32 v25, $0x5;
	v27 =	vld [tilespmem:$0x1FF20];
	[tilespmem:v21+s21+$0x0] =	vst.idx.msk $0xffff, v46  }
0x196: {  	v57 =	vor.u32 v6, v48;
	v39 =	vor.u32 v6, v4;
	[tilespmem:v33+s21+$0x0] =	vst.idx.msk $0xffff, v31;
	v31 =	vand.u32 $0x1F8, v25;
	v25 =	vld [tilespmem:$0x1FFE0]  }
0x197: {  	v23 =	vor.u32 v6, v61;
	v21 =	vadd.s32 v16, v42;
	v63 =	vld.idx.msk [tilespmem:v32+s17+$0x0], $0xffff;
	[tilespmem:v28+s21+$0x0] =	vst.idx.msk $0xffff, v35  }
0x198: {  	v35 =	vor.u32 v2, v4;
	v4 =	vand.u32 $0x1F8, v50;
	[tilespmem:v52+s21+$0x0] =	vst.idx.msk $0xffff, v60;
	v32 =	vor.u32 v2, v38  }
0x199: {  	v28 =	vadd.s32 v8, v5;
	v37 =	vadd.s32 v10, v31;
	v50 =	vld.idx.msk [tilespmem:v59+s17+$0x0], $0xffff;
	v51 =	vadd.s32 v13, v4  }
0x19a: {  	v41 =	vadd.s32 v9, v4;
	v46 =	vld.idx.msk [tilespmem:v34+s17+$0x0], $0xffff;
	[tilespmem:v53+s21+$0x0] =	vst.idx.msk $0xffff, v58;
	v34 =	vor.u32 v2, v61  }
0x19b: {  	p0 =	slt.u32 s30, $0x1F8;
	[tilespmem:v3+s21+$0x0] =	vst.idx.msk $0xffff, v1;
	v62 =	vadd.s32 v25, v56;
	v25 =	vor.u32 v2, v47;
	v47 =	vld.idx.msk [tilespmem:v57+s17+$0x0], $0xffff  }
.Ltmp6:
0x19c: {  	v29 =	vadd.s32 v27, v5;
	[tilespmem:v36+s21+$0x0] =	vst.idx.msk $0xffff, v45;
	v36 =	vand.u32 $0x1F8, v43;
	v57 =	vand.u32 $0x1F8, v49;
	(pc) =	sbr.rel @p0 .LBB2_16-.Ltmp6, $4  }
0x19d: {  	v43 =	vor.u32 v2, v44;
	v49 =	vor.u32 v6, v40;
	v45 =	vor.u32 v2, v48;
	v48 =	vld.idx.msk [tilespmem:v26+s17+$0x0], $0xffff  }
0x19e: {  	v26 =	vor.u32 v2, v40;
	[tilespmem:v55+s21+$0x0] =	vst.idx.msk $0xffff, v63;
	v40 =	vadd.s32 v12, v42;
	v42 =	vadd.s32 s29, v14  }
0x19f: {  	v39 =	vld.idx.msk [tilespmem:v39+s17+$0x0], $0xffff;
	v27 =	vadd.s32 v17, v36;
	v33 =	vadd.s32 v7, v57;
	v44 =	vadd.s32 v15, v36  }
0x1a0: {  	s30 =	sadd.s32 $0x8, s30;
	s29 =	smov.u32 s31;
	v38 =	vadd.s32 v11, v57;
	v36 =	vadd.s32 v0, v56;
	[tilespmem:v62+s21+$0x0] =	vst.idx.msk $0xffff, v47;
	v47 =	vld.idx.msk [tilespmem:v54+s17+$0x0], $0xffff  }
0x1a1: {  	_ =	sdelay $0x3  }
0x1a2: {  	[tilespmem:v51+s21+$0x0] =	vst.idx.msk $0xffff, v50;
	v3 =	vld.idx.msk [tilespmem:v49+s17+$0x0], $0xffff  }
0x1a3: {  	v4 =	vld.idx.msk [tilespmem:v24+s17+$0x0], $0xffff;
	[tilespmem:v20+s21+$0x0] =	vst.idx.msk $0xffff, v46  }
0x1a4: {  	[tilespmem:v18+s21+$0x0] =	vst.idx.msk $0xffff, v48  }
0x1a5: {  	[tilespmem:v29+s21+$0x0] =	vst.idx.msk $0xffff, v39  }
0x1a6: {  	v1 =	vmov s29;
	v5 =	vld.idx.msk [tilespmem:v30+s17+$0x0], $0xffff;
	[tilespmem:v19+s21+$0x0] =	vst.idx.msk $0xffff, v47  }
0x1a7: {  	v58 =	vld.idx.msk [tilespmem:v45+s17+$0x0], $0xffff;
	v1 =	vshll.u32 v1, $0x5;
	[tilespmem:v33+s21+$0x0] =	vst.idx.msk $0xffff, v3  }
0x1a8: {  	v59 =	vld.idx.msk [tilespmem:v23+s17+$0x0], $0xffff;
	v57 =	vor.u32 v6, v1;
	[tilespmem:v27+s21+$0x0] =	vst.idx.msk $0xffff, v4  }
0x1a9: {  	v4 =	vld [tilespmem:$0x1FF10];
	_ =	sdelay $0x1  }
0x1aa: {  	v22 =	vld.idx.msk [tilespmem:v22+s17+$0x0], $0xffff;
	[tilespmem:v42+s21+$0x0] =	vst.idx.msk $0xffff, v5  }
0x1ab: {  	v3 =	vld.idx.msk [tilespmem:v35+s17+$0x0], $0xffff;
	[tilespmem:v36+s21+$0x0] =	vst.idx.msk $0xffff, v58  }
0x1ac: {  	[tilespmem:v37+s21+$0x0] =	vst.idx.msk $0xffff, v59;
	v5 =	vld.idx.msk [tilespmem:v57+s17+$0x0], $0xffff  }
0x1ad: {  	v8 =	vld [tilespmem:$0x1FFD0];
	v4 =	vadd.s32 s29, v4  }
0x1ae: {  	v60 =	vld.idx.msk [tilespmem:v25+s17+$0x0], $0xffff;
	v1 =	vor.u32 v2, v1  }
0x1af: {  	v61 =	vld.idx.msk [tilespmem:v32+s17+$0x0], $0xffff;
	[tilespmem:v21+s21+$0x0] =	vst.idx.msk $0xffff, v22  }
0x1b0: {  	v22 =	vld.idx.msk [tilespmem:v43+s17+$0x0], $0xffff  }
0x1b1: {  	[tilespmem:v28+s21+$0x0] =	vst.idx.msk $0xffff, v3;
	v3 =	vld.idx.msk [tilespmem:v26+s17+$0x0], $0xffff  }
0x1b2: {  	v63 =	vld.idx.msk [tilespmem:v34+s17+$0x0], $0xffff;
	v62 =	vadd.s32 v8, v31;
	[tilespmem:v4+s21+$0x0] =	vst.idx.msk $0xffff, v5  }
0x1b3: {  	[tilespmem:v41+s21+$0x0] =	vst.idx.msk $0xffff, v60;
	v4 =	vadd.s32 s29, v14;
	v1 =	vld.idx.msk [tilespmem:v1+s17+$0x0], $0xffff  }
0x1b4: {  	s0 =	sshll.u32 s28, $0x13;
	[tilespmem:v44+s21+$0x0] =	vst.idx.msk $0xffff, v61  }
0x1b5: {  	s0 =	sor.u32 s4, s0;
	[tilespmem:v40+s21+$0x0] =	vst.idx.msk $0xffff, v22  }
0x1b6: {  	s0 =	sshrl.u32 s0, $0x3;
	[tilespmem:v38+s21+$0x0] =	vst.idx.msk $0xffff, v3  }
0x1b7: {  	s1 =	simm.s32 $0x12708;
	s28 =	sadd.s32 s5, s0;
	[tilespmem:v62+s21+$0x0] =	vst.idx.msk $0xffff, v63  }
0x1b8: {  	v0 =	vlaneseq.u32;
	s0 =	simm.s32 $0x800;
	s30 =	sadd.s32 $0x0, s28;
	s29 =	simm.s32 $0x12500;
	v5 =	vmov v8;
	[tilespmem:v4+s21+$0x0] =	vst.idx.msk $0xffff, v1  }
.LBB2_18:
0x1b9: {  	[hbm4b:s30+s2] =	stream.linear.scatter [tilespmem:s29], [sflag:$0x4], $0x200, $0x38;
	[tilespmem:$0x16600] =	vst v63  }
0x1ba: {  	s13 =	smov.u32 s0;
	s29 =	smov.u32 s1;
	p0 =	seq.s32 s0, $0xF800  }
.Ltmp7:
0x1bb: {  	s0 =	sadd.s32 $0x800, s0;
	(pc) =	sbr.rel @!p0 .LBB2_18-.Ltmp7, $2  }
0x1bc: {  	_ =	sdelay $0x2  }
0x1bd: {  	s1 =	sadd.s32 $0x208, s1;
	s30 =	sadd.s32 s13, s28  }
0x1be: {  	v8 =	vld [tilespmem:$0x1FF20]  }
0x1bf: {  	v9 =	vld [tilespmem:$0x1FF30]  }
0x1c0: {  	v10 =	vld [tilespmem:$0x1FF40]  }
0x1c1: {  	v11 =	vld [tilespmem:$0x1FF50]  }
0x1c2: {  	v12 =	vld [tilespmem:$0x1FF60]  }
0x1c3: {  	v13 =	vld [tilespmem:$0x1FF70]  }
0x1c4: {  	v14 =	vld [tilespmem:$0x1FF80]  }
0x1c5: {  	v15 =	vld [tilespmem:$0x1FF90]  }
0x1c6: {  	v16 =	vld [tilespmem:$0x1FFA0]  }
0x1c7: {  	v17 =	vld [tilespmem:$0x1FFB0]  }
0x1c8: {  	v6 =	vld [tilespmem:$0x1FFC0]  }
0x1c9: {  	v3 =	vld [tilespmem:$0x1FFE0]  }
0x1ca: {  	[hbm4b:s30+s2] =	stream.linear.scatter [tilespmem:s29], [sflag:$0x4], $0x200, $0x38;
	v4 =	vld [tilespmem:$0x1FFF0]  }
0x1cb: {  	p0 =	seq.s32 s26, $0x17  }
.Ltmp8:
0x1cc: {  	_ = 	snop;
	(pc) =	sbr.rel @!p0 .LBB2_11-.Ltmp8, $2  }
0x1cd: {  	_ =	sdelay $0x2  }
0x1ce: {  	v1 =	vld [tilespmem:$0x1FF10]  }
0x1cf: {  	s1 =	simm.s32 $0x2;
	s13 =	simm.s32 $0x3  }
0x1d0: {  	v59 =	vmovc v3;
	s29 =	simm.s32 $0x4;
	v52 =	vmovc v11;
	v11 =	vmov v4;
	s30 =	simm.s32 $0x5;
	s31 =	simm.s32 $0x7;
	v3 =	vmov s1;
	v4 =	vmov s13  }
0x1d1: {  	v18 =	vmov s29;
	v19 =	vmov s30;
	v21 =	vmov s31  }
0x1d2: {  	v45 =	vmovc v5;
	v63 =	vld [tilespmem:$0x1FF00];
	_ =	swait.ge [sflag:s16], $0x4000;
	s13 =	simm.s32 $0x6;
	v5 =	vshll.u32 v3, $0x5;
	v22 =	vshll.u32 v4, $0x5;
	v23 =	vshll.u32 v21, $0x5  }
0x1d3: {  	[sflag:s16] =	ssyncset.done $0x0;
	v24 =	vshll.u32 v18, $0x5;
	v25 =	vshll.u32 v19, $0x5;
	v29 =	vmov s13  }
0x1d4: {  	s0 =	simm.s32 $0x1;
	v36 =	vmovc v13;
	[sflag:s16] =	ssyncadd.s32 $0xFFFFC000;
	v19 =	vand.u32 $0x1F8, v19;
	v26 =	vor.u32 v0, v23;
	v28 =	vor.u32 v0, v22  }
0x1d5: {  	v42 =	vmovc v15;
	v43 =	vmovc v17;
	v31 =	vor.u32 v0, v25;
	v32 =	vshll.u32 v29, $0x5;
	v29 =	vand.u32 $0x1F8, v29;
	[tilespmem:s17], [sflag:$0x2] =	stream.indirect.gather [hbm4b:s3+s12], $0x20, s24, s12, $0xb8;
	[tilespmem:$0x16600] =	vst v63  }
0x1d6: {  	v15 =	vmovc v6;
	v46 =	vmovc v1;
	v1 =	vmov s0;
	v13 =	vadd.s32 v6, v29;
	_ =	swait.ge [sflag:s22], $0x4000;
	v6 =	vadd.s32 v43, v19  }
0x1d7: {  	v20 =	vshll.u32 v1, $0x5;
	[tilespmem:$0x1FE30] =	vst v6;
	v6 =	vor.u32 v2, v22;
	v22 =	vor.u32 v0, v24  }
0x1d8: {  	v30 =	vor.u32 v0, v5;
	v5 =	vor.u32 v2, v5;
	[sflag:s22] =	ssyncset.done $0x0;
	v27 =	vor.u32 v0, v20  }
0x1d9: {  	v21 =	vand.u32 $0x1F8, v21;
	v3 =	vand.u32 $0x1F8, v3;
	v4 =	vand.u32 $0x1F8, v4;
	[tilespmem:$0x1FE40] =	vst v5;
	[sflag:s22] =	ssyncadd.s32 $0xFFFFC000  }
0x1da: {  	v34 =	vadd.s32 v59, v21;
	v38 =	vadd.s32 v10, v3;
	v41 =	vadd.s32 v16, v19;
	v26 =	vld.idx.msk [tilespmem:v26+s15+$0x0], $0xffff  }
0x1db: {  	s30 =	simm.s32 $0xA;
	v23 =	vor.u32 v2, v23;
	v33 =	vor.u32 v0, v32;
	v1 =	vand.u32 $0x1F8, v1;
	v31 =	vld.idx.msk [tilespmem:v31+s15+$0x0], $0xffff  }
0x1dc: {  	v39 =	vor.u32 v2, v20;
	v20 =	vadd.s32 v45, v29;
	v29 =	vmov s30;
	s30 =	simm.s32 $0xF;
	v61 =	vld.idx.msk [tilespmem:v22+s15+$0x0], $0xffff  }
0x1dd: {  	v19 =	vadd.s32 v52, v3;
	v35 =	vadd.s32 v8, v1;
	v22 =	vmov s30;
	v3 =	vld.idx.msk [tilespmem:v27+s15+$0x0], $0xffff  }
0x1de: {  	v18 =	vand.u32 $0x1F8, v18;
	v37 =	vadd.s32 v12, v4;
	v28 =	vld.idx.msk [tilespmem:v28+s15+$0x0], $0xffff;
	v53 =	vshll.u32 v22, $0x5  }
0x1df: {  	v40 =	vadd.s32 v14, v18;
	v55 =	vor.u32 v0, v53  }
0x1e0: {  	v50 =	vld.idx.msk [tilespmem:v30+s15+$0x0], $0xffff;
	[tilespmem:v34+s18+$0x0] =	vst.idx.msk $0xffff, v26  }
0x1e1: {  	v47 =	vmov v9;
	v17 =	vmov v14;
	s29 =	simm.s32 $0x0;
	v25 =	vor.u32 v2, v25;
	v45 =	vld.idx.msk [tilespmem:v33+s15+$0x0], $0xffff;
	[tilespmem:v41+s18+$0x0] =	vst.idx.msk $0xffff, v31  }
0x1e2: {  	v14 =	vor.u32 v2, v24;
	v21 =	vadd.s32 v11, v21;
	v24 =	vmov s29;
	v41 =	vld.idx.msk [tilespmem:v23+s15+$0x0], $0xffff;
	[tilespmem:v35+s18+$0x0] =	vst.idx.msk $0xffff, v3  }
0x1e3: {  	s26 =	simm.s32 $0x9;
	v1 =	vadd.s32 v47, v1;
	v54 =	vand.u32 $0x1F8, v22;
	v31 =	vshll.u32 v24, $0x5;
	[tilespmem:v37+s18+$0x0] =	vst.idx.msk $0xffff, v28;
	v35 =	vld.idx.msk [tilespmem:v39+s15+$0x0], $0xffff  }
0x1e4: {  	s31 =	simm.s32 $0xB;
	v27 =	vmov s26;
	v28 =	vadd.s32 v59, v54;
	[tilespmem:v40+s18+$0x0] =	vst.idx.msk $0xffff, v61;
	v40 =	vor.u32 v0, v31;
	v55 =	vld.idx.msk [tilespmem:v55+s15+$0x0], $0xffff  }
0x1e5: {  	v62 =	vmovc v12;
	v44 =	vor.u32 v2, v32;
	v32 =	vmov s31;
	s31 =	simm.s32 $0xE;
	s26 =	simm.s32 $0xD;
	v60 =	vand.u32 $0x1F8, v27;
	[tilespmem:v38+s18+$0x0] =	vst.idx.msk $0xffff, v50  }
0x1e6: {  	v9 =	vmovc v16;
	v12 =	vmovc v15;
	v26 =	vmov s26;
	v34 =	vshll.u32 v27, $0x5;
	v23 =	vmov s31;
	[tilespmem:v13+s18+$0x0] =	vst.idx.msk $0xffff, v45  }
0x1e7: {  	v51 =	vshll.u32 v26, $0x5;
	v30 =	vor.u32 v2, v31;
	v31 =	vand.u32 $0x1F8, v23;
	v3 =	vld.idx.msk [tilespmem:v25+s15+$0x0], $0xffff;
	[tilespmem:v21+s18+$0x0] =	vst.idx.msk $0xffff, v41  }
0x1e8: {  	v25 =	vor.u32 v2, v51;
	v37 =	vadd.s32 v15, v31;
	v41 =	vand.u32 $0x1F8, v32;
	[tilespmem:v1+s18+$0x0] =	vst.idx.msk $0xffff, v35  }
0x1e9: {  	v15 =	vmov v62;
	v27 =	vadd.s32 v62, v41;
	v62 =	vld.idx.msk [tilespmem:v40+s15+$0x0], $0xffff;
	v1 =	vand.u32 $0x1F8, v26;
	[tilespmem:v28+s18+$0x0] =	vst.idx.msk $0xffff, v55  }
0x1ea: {  	v39 =	vor.u32 v0, v51;
	v51 =	vadd.s32 v9, v1;
	v40 =	vadd.s32 v43, v1;
	v1 =	vld [tilespmem:$0x1FE30];
	_ =	sdelay $0x4  }
0x1eb: {  	s1 =	simm.s32 $0xC  }
0x1ec: {  	v48 =	vmov s1  }
0x1ed: {  	v18 =	vadd.s32 v42, v18;
	v57 =	vshll.u32 v48, $0x5;
	v5 =	vadd.s32 v36, v4  }
0x1ee: {  	v4 =	vadd.s32 s29, v46;
	v49 =	vshll.u32 v32, $0x5;
	v46 =	vshll.u32 v29, $0x5;
	[tilespmem:v1+s18+$0x0] =	vst.idx.msk $0xffff, v3  }
0x1ef: {  	v7 =	vmovc v10;
	v22 =	vor.u32 v0, v46;
	v24 =	vor.u32 v0, v49;
	v38 =	vand.u32 $0x1F8, v48;
	v1 =	vld [tilespmem:$0x1FE40]  }
0x1f0: {  	v16 =	vmovc v17;
	v56 =	vor.u32 v0, v34;
	v59 =	vld.idx.msk [tilespmem:v6+s15+$0x0], $0xffff;
	v33 =	vadd.s32 v17, v38;
	v6 =	vmov v43  }
0x1f1: {  	v13 =	vmovc v36;
	v45 =	vor.u32 v2, v53;
	v17 =	vmovc v42;
	v38 =	vadd.s32 v42, v38;
	v58 =	vshll.u32 v23, $0x5  }
0x1f2: {  	v61 =	vand.u32 $0x1F8, v29;
	v29 =	vadd.s32 v8, v60;
	v8 =	vmovc v9;
	v23 =	vor.u32 v0, v58;
	v48 =	vld.idx.msk [tilespmem:v14+s15+$0x0], $0xffff  }
0x1f3: {  	v14 =	vmovc v11;
	v42 =	vadd.s32 v52, v61;
	v21 =	vadd.s32 v10, v61;
	v32 =	vor.u32 v2, v49  }
0x1f4: {  	v49 =	vor.u32 v0, v57;
	v35 =	vor.u32 v2, v34;
	v50 =	vld.idx.msk [tilespmem:v39+s15+$0x0], $0xffff;
	v28 =	vadd.s32 v47, v60  }
0x1f5: {  	v39 =	vld.idx.msk [tilespmem:v56+s15+$0x0], $0xffff;
	v26 =	vor.u32 v2, v57;
	v34 =	vor.u32 v2, v58;
	v43 =	vor.u32 v2, v46  }
0x1f6: {  	v46 =	vld.idx.msk [tilespmem:v44+s15+$0x0], $0xffff;
	v44 =	vadd.s32 v36, v41;
	v36 =	vadd.s32 v11, v54;
	[tilespmem:v5+s18+$0x0] =	vst.idx.msk $0xffff, v59  }
0x1f7: {  	s28 =	simm.s32 $0x10;
	s26 =	simm.s32 $0x8;
	v10 =	vmovc v47;
	v11 =	vmov v52;
	v9 =	vmov v63;
	v41 =	vadd.s32 s29, v63;
	[tilespmem:v4+s18+$0x0] =	vst.idx.msk $0xffff, v62;
	v47 =	vld.idx.msk [tilespmem:v1+s15+$0x0], $0xffff  }
.LBB2_21:
0x1f8: {  	v3 =	vld [tilespmem:$0x1FF10]  }
0x1f9: {  	v4 =	vld [tilespmem:$0x1FFD0]  }
0x1fa: {  	s1 =	sadd.s32 $0x2, s28;
	v5 =	vld.idx.msk [tilespmem:v30+s15+$0x0], $0xffff  }
0x1fb: {  	s0 =	sadd.s32 $0x1, s28;
	v1 =	vmov s26;
	v52 =	vmovc v37;
	v53 =	vmov v40;
	v45 =	vld.idx.msk [tilespmem:v45+s15+$0x0], $0xffff;
	v40 =	vmov s1  }
0x1fc: {  	s13 =	sadd.s32 $0x3, s28;
	v54 =	vmovc v43;
	v55 =	vmovc v44;
	s29 =	smov.u32 s28;
	v37 =	vmov s0;
	v1 =	vshll.u32 v1, $0x5;
	v44 =	vshll.u32 v40, $0x5;
	[tilespmem:v51+s18+$0x0] =	vst.idx.msk $0xffff, v50;
	v51 =	vld.idx.msk [tilespmem:v24+s15+$0x0], $0xffff  }
0x1fd: {  	v43 =	vmov s13;
	s13 =	sadd.s32 $0x5, s28;
	s31 =	sadd.s32 $0x7, s29;
	v30 =	vor.u32 v2, v1;
	v1 =	vor.u32 v0, v1;
	[tilespmem:v20+s18+$0x0] =	vst.idx.msk $0xffff, v46;
	v46 =	vld.idx.msk [tilespmem:v22+s15+$0x0], $0xffff  }
0x1fe: {  	s1 =	sadd.s32 $0x4, s28;
	v50 =	vmov s13;
	v24 =	vmov s31;
	[tilespmem:v19+s18+$0x0] =	vst.idx.msk $0xffff, v47;
	v4 =	vadd.s32 v4, v31;
	v31 =	vld.idx.msk [tilespmem:v49+s15+$0x0], $0xffff  }
0x1ff: {  	[tilespmem:v29+s18+$0x0] =	vst.idx.msk $0xffff, v39;
	v22 =	vor.u32 v0, v44;
	v3 =	vadd.s32 s26, v3;
	v49 =	vmov s1;
	v58 =	vld.idx.msk [tilespmem:v25+s15+$0x0], $0xffff  }
0x200: {  	[tilespmem:v18+s18+$0x0] =	vst.idx.msk $0xffff, v48;
	v18 =	vmovc v38;
	v38 =	vshll.u32 v43, $0x5;
	v48 =	vshll.u32 v24, $0x5;
	v56 =	vand.u32 $0x1F8, v24;
	v35 =	vld.idx.msk [tilespmem:v35+s15+$0x0], $0xffff  }
0x201: {  	s30 =	sadd.s32 $0x6, s28;
	v19 =	vmovc v42;
	v47 =	vshll.u32 v50, $0x5;
	v60 =	vld.idx.msk [tilespmem:v23+s15+$0x0], $0xffff;
	[tilespmem:v41+s18+$0x0] =	vst.idx.msk $0xffff, v5;
	v5 =	vand.u32 $0x1F8, v37;
	v41 =	vand.u32 $0x1F8, v40  }
0x202: {  	v25 =	vmov s30;
	v20 =	vmovc v4;
	v4 =	vshll.u32 v37, $0x5;
	v59 =	vor.u32 v0, v47;
	v1 =	vld.idx.msk [tilespmem:v1+s15+$0x0], $0xffff;
	[tilespmem:v27+s18+$0x0] =	vst.idx.msk $0xffff, v51  }
0x203: {  	v42 =	vshll.u32 v49, $0x5;
	v57 =	vor.u32 v0, v48;
	v24 =	vor.u32 v0, v38;
	v27 =	vld [tilespmem:$0x1FF20];
	[tilespmem:v21+s18+$0x0] =	vst.idx.msk $0xffff, v46  }
0x204: {  	v61 =	vshll.u32 v25, $0x5;
	v39 =	vor.u32 v0, v4;
	[tilespmem:v33+s18+$0x0] =	vst.idx.msk $0xffff, v31;
	v31 =	vand.u32 $0x1F8, v25;
	v25 =	vld [tilespmem:$0x1FFE0]  }
0x205: {  	v23 =	vor.u32 v0, v61;
	v21 =	vadd.s32 v7, v41;
	v63 =	vld.idx.msk [tilespmem:v32+s15+$0x0], $0xffff;
	[tilespmem:v28+s18+$0x0] =	vst.idx.msk $0xffff, v35  }
0x206: {  	v35 =	vor.u32 v2, v4;
	v4 =	vand.u32 $0x1F8, v50;
	[tilespmem:v52+s18+$0x0] =	vst.idx.msk $0xffff, v60;
	v32 =	vor.u32 v2, v38  }
0x207: {  	v28 =	vadd.s32 v10, v5;
	v37 =	vadd.s32 v12, v31;
	v50 =	vld.idx.msk [tilespmem:v59+s15+$0x0], $0xffff;
	v51 =	vadd.s32 v8, v4  }
0x208: {  	v40 =	vadd.s32 v6, v4;
	v46 =	vld.idx.msk [tilespmem:v34+s15+$0x0], $0xffff;
	[tilespmem:v53+s18+$0x0] =	vst.idx.msk $0xffff, v58;
	v34 =	vor.u32 v2, v61  }
0x209: {  	p0 =	slt.u32 s28, $0x1F8;
	[tilespmem:v3+s18+$0x0] =	vst.idx.msk $0xffff, v1;
	v62 =	vadd.s32 v25, v56;
	v25 =	vor.u32 v2, v47;
	v47 =	vld.idx.msk [tilespmem:v57+s15+$0x0], $0xffff  }
.Ltmp9:
0x20a: {  	v29 =	vadd.s32 v27, v5;
	[tilespmem:v36+s18+$0x0] =	vst.idx.msk $0xffff, v45;
	v36 =	vand.u32 $0x1F8, v43;
	v57 =	vand.u32 $0x1F8, v49;
	(pc) =	sbr.rel @p0 .LBB2_21-.Ltmp9, $4  }
0x20b: {  	v43 =	vor.u32 v2, v44;
	v49 =	vor.u32 v0, v42;
	v45 =	vor.u32 v2, v48;
	v48 =	vld.idx.msk [tilespmem:v26+s15+$0x0], $0xffff  }
0x20c: {  	v26 =	vor.u32 v2, v42;
	[tilespmem:v55+s18+$0x0] =	vst.idx.msk $0xffff, v63;
	v42 =	vadd.s32 v11, v41;
	v41 =	vadd.s32 s26, v9  }
0x20d: {  	v39 =	vld.idx.msk [tilespmem:v39+s15+$0x0], $0xffff;
	v27 =	vadd.s32 v15, v36;
	v33 =	vadd.s32 v16, v57;
	v44 =	vadd.s32 v13, v36  }
0x20e: {  	s28 =	sadd.s32 $0x8, s28;
	s26 =	smov.u32 s29;
	v38 =	vadd.s32 v17, v57;
	v36 =	vadd.s32 v14, v56;
	[tilespmem:v62+s18+$0x0] =	vst.idx.msk $0xffff, v47;
	v47 =	vld.idx.msk [tilespmem:v54+s15+$0x0], $0xffff  }
0x20f: {  	_ =	sdelay $0x2  }
0x210: {  	v53 =	vmov v7;
	v7 =	vld [tilespmem:$0x1FF20]  }
0x211: {  	[tilespmem:v51+s18+$0x0] =	vst.idx.msk $0xffff, v50;
	v3 =	vld.idx.msk [tilespmem:v49+s15+$0x0], $0xffff  }
0x212: {  	v4 =	vld.idx.msk [tilespmem:v24+s15+$0x0], $0xffff;
	[tilespmem:v20+s18+$0x0] =	vst.idx.msk $0xffff, v46  }
0x213: {  	[tilespmem:v18+s18+$0x0] =	vst.idx.msk $0xffff, v48  }
0x214: {  	[tilespmem:v29+s18+$0x0] =	vst.idx.msk $0xffff, v39  }
0x215: {  	v1 =	vmov s26;
	v5 =	vld.idx.msk [tilespmem:v30+s15+$0x0], $0xffff;
	[tilespmem:v19+s18+$0x0] =	vst.idx.msk $0xffff, v47  }
0x216: {  	v61 =	vld.idx.msk [tilespmem:v45+s15+$0x0], $0xffff;
	v1 =	vshll.u32 v1, $0x5;
	[tilespmem:v33+s18+$0x0] =	vst.idx.msk $0xffff, v3  }
0x217: {  	v18 =	vor.u32 v0, v1;
	v19 =	vld.idx.msk [tilespmem:v23+s15+$0x0], $0xffff;
	[tilespmem:v27+s18+$0x0] =	vst.idx.msk $0xffff, v4  }
0x218: {  	v4 =	vld [tilespmem:$0x1FF10];
	_ =	sdelay $0x1  }
0x219: {  	v22 =	vld.idx.msk [tilespmem:v22+s15+$0x0], $0xffff;
	[tilespmem:v41+s18+$0x0] =	vst.idx.msk $0xffff, v5  }
0x21a: {  	v3 =	vld.idx.msk [tilespmem:v35+s15+$0x0], $0xffff;
	[tilespmem:v36+s18+$0x0] =	vst.idx.msk $0xffff, v61  }
0x21b: {  	v5 =	vld.idx.msk [tilespmem:v18+s15+$0x0], $0xffff;
	[tilespmem:v37+s18+$0x0] =	vst.idx.msk $0xffff, v19  }
0x21c: {  	v45 =	vld [tilespmem:$0x1FFD0];
	v4 =	vadd.s32 s26, v4  }
0x21d: {  	v1 =	vor.u32 v2, v1;
	v62 =	vld.idx.msk [tilespmem:v32+s15+$0x0], $0xffff  }
0x21e: {  	v18 =	vld.idx.msk [tilespmem:v25+s15+$0x0], $0xffff;
	[tilespmem:v21+s18+$0x0] =	vst.idx.msk $0xffff, v22  }
0x21f: {  	[tilespmem:v28+s18+$0x0] =	vst.idx.msk $0xffff, v3;
	v3 =	vld.idx.msk [tilespmem:v26+s15+$0x0], $0xffff  }
0x220: {  	v22 =	vld.idx.msk [tilespmem:v43+s15+$0x0], $0xffff  }
0x221: {  	v63 =	vld.idx.msk [tilespmem:v34+s15+$0x0], $0xffff;
	v19 =	vadd.s32 v45, v31;
	[tilespmem:v4+s18+$0x0] =	vst.idx.msk $0xffff, v5  }
0x222: {  	[tilespmem:v44+s18+$0x0] =	vst.idx.msk $0xffff, v62;
	v4 =	vadd.s32 s26, v9;
	v1 =	vld.idx.msk [tilespmem:v1+s15+$0x0], $0xffff  }
0x223: {  	[tilespmem:v40+s18+$0x0] =	vst.idx.msk $0xffff, v18  }
0x224: {  	[tilespmem:v38+s18+$0x0] =	vst.idx.msk $0xffff, v3  }
0x225: {  	[tilespmem:v42+s18+$0x0] =	vst.idx.msk $0xffff, v22  }
0x226: {  	s0 =	simm.s32 $0x800;
	[tilespmem:v19+s18+$0x0] =	vst.idx.msk $0xffff, v63  }
0x227: {  	v58 =	vmovc v12;
	v56 =	vmovc v6;
	v57 =	vmov v8;
	v55 =	vmov v17;
	v52 =	vmov v10;
	s28 =	sadd.s32 $0x0, s9;
	s1 =	simm.s32 $0xE608;
	s26 =	simm.s32 $0xE400;
	[tilespmem:v4+s18+$0x0] =	vst.idx.msk $0xffff, v1  }
.LBB2_23:
0x228: {  	[hbm4b:s28+s2] =	stream.linear.scatter [tilespmem:s26], [sflag:$0x3], $0x200, $0x38;
	[tilespmem:$0x16600] =	vst v63  }
0x229: {  	s13 =	smov.u32 s0;
	s26 =	smov.u32 s1;
	p0 =	sne.s32 s0, $0xF800  }
.Ltmp10:
0x22a: {  	s0 =	sadd.s32 $0x800, s0;
	(pc) =	sbr.rel @p0 .LBB2_23-.Ltmp10, $2  }
0x22b: {  	_ =	sdelay $0x2  }
0x22c: {  	s1 =	sadd.s32 $0x208, s1;
	s28 =	sadd.s32 s13, s9  }
0x22d: {  	s0 =	simm.s32 $0x1  }
0x22e: {  	s1 =	simm.s32 $0x2;
	s13 =	simm.s32 $0x3;
	s29 =	simm.s32 $0x4;
	v1 =	vmov s0  }
0x22f: {  	s30 =	simm.s32 $0x5;
	s31 =	simm.s32 $0x7;
	v3 =	vmov s1;
	v4 =	vmov s13;
	v18 =	vmov s29  }
0x230: {  	v19 =	vmov s30;
	v21 =	vmov s31;
	v5 =	vshll.u32 v3, $0x5  }
0x231: {  	[hbm4b:s28+s2] =	stream.linear.scatter [tilespmem:s26], [sflag:$0x3], $0x200, $0x38;
	v20 =	vshll.u32 v1, $0x5;
	v22 =	vshll.u32 v4, $0x5;
	v23 =	vshll.u32 v21, $0x5;
	[tilespmem:$0x16600] =	vst v63  }
0x232: {  	s13 =	simm.s32 $0x6;
	v21 =	vand.u32 $0x1F8, v21;
	v24 =	vshll.u32 v18, $0x5;
	v25 =	vshll.u32 v19, $0x5  }
0x233: {  	v59 =	vld [tilespmem:$0x1FFE0];
	_ =	swait.ge [sflag:s19], $0x4000;
	v29 =	vmov s13;
	v1 =	vand.u32 $0x1F8, v1;
	v3 =	vand.u32 $0x1F8, v3  }
0x234: {  	[sflag:s19] =	ssyncset.done $0x0;
	v18 =	vand.u32 $0x1F8, v18;
	v19 =	vand.u32 $0x1F8, v19;
	v26 =	vor.u32 v0, v23  }
0x235: {  	v27 =	vor.u32 v0, v20;
	v28 =	vor.u32 v0, v22;
	v31 =	vor.u32 v0, v25;
	[sflag:s19] =	ssyncadd.s32 $0xFFFFC000  }
0x236: {  	v30 =	vor.u32 v0, v5;
	v32 =	vshll.u32 v29, $0x5;
	v29 =	vand.u32 $0x1F8, v29;
	_ =	swait.ge [sflag:s23], $0x4000  }
0x237: {  	v8 =	vmovc v7;
	v5 =	vor.u32 v2, v5;
	v43 =	vor.u32 v2, v22;
	v22 =	vor.u32 v0, v24;
	[sflag:s23] =	ssyncset.done $0x0;
	v12 =	vld [tilespmem:$0x1FFF0]  }
0x238: {  	v35 =	vadd.s32 v7, v1;
	v38 =	vadd.s32 v53, v3;
	v39 =	vor.u32 v2, v20;
	[tilespmem:$0x1FE20] =	vst v5;
	v7 =	vld [tilespmem:$0x1FF10];
	[sflag:s23] =	ssyncadd.s32 $0xFFFFC000  }
0x239: {  	v41 =	vadd.s32 v57, v19;
	v42 =	vadd.s32 v56, v19;
	v34 =	vadd.s32 v59, v21;
	v26 =	vld.idx.msk [tilespmem:v26+s17+$0x0], $0xffff  }
0x23a: {  	s30 =	simm.s32 $0xA;
	v23 =	vor.u32 v2, v23;
	v19 =	vadd.s32 v11, v3;
	v33 =	vor.u32 v0, v32;
	v31 =	vld.idx.msk [tilespmem:v31+s17+$0x0], $0xffff  }
0x23b: {  	v36 =	vadd.s32 v58, v29;
	v20 =	vadd.s32 v45, v29;
	v29 =	vmov s30;
	s30 =	simm.s32 $0xF;
	v3 =	vld.idx.msk [tilespmem:v27+s17+$0x0], $0xffff  }
0x23c: {  	v10 =	vmovc v53;
	v63 =	vmovc v15;
	v4 =	vand.u32 $0x1F8, v4;
	v40 =	vadd.s32 v16, v18;
	v62 =	vld.idx.msk [tilespmem:v22+s17+$0x0], $0xffff;
	v22 =	vmov s30  }
0x23d: {  	v25 =	vor.u32 v2, v25;
	v37 =	vadd.s32 v15, v4;
	v15 =	vmovc v55;
	v28 =	vld.idx.msk [tilespmem:v28+s17+$0x0], $0xffff;
	v53 =	vshll.u32 v22, $0x5  }
0x23e: {  	v18 =	vadd.s32 v55, v18;
	v50 =	vld.idx.msk [tilespmem:v30+s17+$0x0], $0xffff;
	v55 =	vor.u32 v0, v53;
	[tilespmem:v34+s21+$0x0] =	vst.idx.msk $0xffff, v26  }
0x23f: {  	v45 =	vld.idx.msk [tilespmem:v33+s17+$0x0], $0xffff;
	[tilespmem:v41+s21+$0x0] =	vst.idx.msk $0xffff, v31  }
0x240: {  	s29 =	simm.s32 $0x0;
	v21 =	vadd.s32 v12, v21;
	[tilespmem:v35+s21+$0x0] =	vst.idx.msk $0xffff, v3;
	v41 =	vld.idx.msk [tilespmem:v23+s17+$0x0], $0xffff  }
0x241: {  	v1 =	vadd.s32 v52, v1;
	v47 =	vor.u32 v2, v24;
	v24 =	vmov s29;
	[tilespmem:v40+s21+$0x0] =	vst.idx.msk $0xffff, v62;
	v35 =	vld.idx.msk [tilespmem:v39+s17+$0x0], $0xffff  }
0x242: {  	v54 =	vand.u32 $0x1F8, v22;
	v31 =	vshll.u32 v24, $0x5;
	[tilespmem:v37+s21+$0x0] =	vst.idx.msk $0xffff, v28;
	v3 =	vld.idx.msk [tilespmem:v25+s17+$0x0], $0xffff  }
0x243: {  	v28 =	vadd.s32 v59, v54;
	[tilespmem:v38+s21+$0x0] =	vst.idx.msk $0xffff, v50;
	v40 =	vor.u32 v0, v31;
	v55 =	vld.idx.msk [tilespmem:v55+s17+$0x0], $0xffff  }
0x244: {  	s26 =	simm.s32 $0x9;
	[tilespmem:v36+s21+$0x0] =	vst.idx.msk $0xffff, v45  }
0x245: {  	v27 =	vmov s26;
	s26 =	simm.s32 $0xD;
	[tilespmem:v21+s21+$0x0] =	vst.idx.msk $0xffff, v41  }
0x246: {  	v26 =	vmov s26;
	[tilespmem:v1+s21+$0x0] =	vst.idx.msk $0xffff, v35  }
0x247: {  	v14 =	vmov v16;
	v17 =	vmov v56;
	v51 =	vshll.u32 v26, $0x5;
	[tilespmem:v42+s21+$0x0] =	vst.idx.msk $0xffff, v3  }
0x248: {  	v16 =	vmov v57;
	v39 =	vor.u32 v0, v51;
	v1 =	vand.u32 $0x1F8, v26;
	v62 =	vld.idx.msk [tilespmem:v40+s17+$0x0], $0xffff;
	[tilespmem:v28+s21+$0x0] =	vst.idx.msk $0xffff, v55  }
0x249: {  	s1 =	simm.s32 $0xC;
	v25 =	vor.u32 v2, v51;
	v51 =	vadd.s32 v16, v1;
	v40 =	vadd.s32 v17, v1;
	v1 =	vld [tilespmem:$0x1FE20]  }
0x24a: {  	v48 =	vmov s1  }
0x24b: {  	s31 =	simm.s32 $0xB;
	v57 =	vshll.u32 v48, $0x5;
	v44 =	vor.u32 v2, v32;
	v5 =	vadd.s32 v13, v4;
	v59 =	vld.idx.msk [tilespmem:v43+s17+$0x0], $0xffff  }
0x24c: {  	v9 =	vmovc v52;
	v32 =	vmov s31;
	v46 =	vshll.u32 v29, $0x5;
	v52 =	vadd.s32 s29, v7  }
0x24d: {  	v49 =	vshll.u32 v32, $0x5;
	v61 =	vand.u32 $0x1F8, v29;
	v60 =	vand.u32 $0x1F8, v27  }
0x24e: {  	v22 =	vor.u32 v0, v46;
	v29 =	vadd.s32 v8, v60;
	v34 =	vshll.u32 v27, $0x5  }
0x24f: {  	v24 =	vor.u32 v0, v49;
	v38 =	vand.u32 $0x1F8, v48;
	v56 =	vor.u32 v0, v34  }
0x250: {  	s31 =	simm.s32 $0xE;
	v30 =	vor.u32 v2, v31;
	v33 =	vadd.s32 v14, v38;
	v48 =	vld.idx.msk [tilespmem:v47+s17+$0x0], $0xffff;
	[tilespmem:v5+s21+$0x0] =	vst.idx.msk $0xffff, v59  }
0x251: {  	v23 =	vmov s31;
	v43 =	vor.u32 v2, v46;
	v45 =	vor.u32 v2, v53;
	[tilespmem:v52+s21+$0x0] =	vst.idx.msk $0xffff, v62;
	v47 =	vld.idx.msk [tilespmem:v1+s17+$0x0], $0xffff  }
0x252: {  	v6 =	vmovc v58;
	v38 =	vadd.s32 v15, v38;
	v58 =	vshll.u32 v23, $0x5;
	v31 =	vand.u32 $0x1F8, v23;
	v1 =	vld [tilespmem:$0x1FF00]  }
0x253: {  	v36 =	vadd.s32 v12, v54;
	v23 =	vor.u32 v0, v58;
	v37 =	vadd.s32 v6, v31  }
0x254: {  	v7 =	vmovc v12;
	v41 =	vand.u32 $0x1F8, v32;
	v21 =	vadd.s32 v10, v61;
	v35 =	vor.u32 v2, v34  }
0x255: {  	v46 =	vld.idx.msk [tilespmem:v44+s17+$0x0], $0xffff;
	v32 =	vor.u32 v2, v49;
	v49 =	vor.u32 v0, v57;
	v26 =	vor.u32 v2, v57  }
0x256: {  	v42 =	vadd.s32 v11, v61;
	v34 =	vor.u32 v2, v58;
	v27 =	vadd.s32 v63, v41;
	v50 =	vld.idx.msk [tilespmem:v39+s17+$0x0], $0xffff  }
0x257: {  	s28 =	simm.s32 $0x10;
	s26 =	simm.s32 $0x8;
	v12 =	vmovc v63;
	v39 =	vld.idx.msk [tilespmem:v56+s17+$0x0], $0xffff;
	v44 =	vadd.s32 v13, v41;
	v28 =	vadd.s32 v9, v60;
	v41 =	vadd.s32 s29, v1  }
.LBB2_25:
0x258: {  	v3 =	vld [tilespmem:$0x1FF10]  }
0x259: {  	v4 =	vld [tilespmem:$0x1FFD0]  }
0x25a: {  	s1 =	sadd.s32 $0x2, s28;
	v5 =	vld.idx.msk [tilespmem:v30+s17+$0x0], $0xffff  }
0x25b: {  	s0 =	sadd.s32 $0x1, s28;
	v1 =	vmov s26;
	v52 =	vmovc v37;
	v53 =	vmov v40;
	v45 =	vld.idx.msk [tilespmem:v45+s17+$0x0], $0xffff;
	v40 =	vmov s1  }
0x25c: {  	s13 =	sadd.s32 $0x3, s28;
	v54 =	vmovc v43;
	v55 =	vmovc v44;
	v37 =	vmov s0;
	v1 =	vshll.u32 v1, $0x5;
	v44 =	vshll.u32 v40, $0x5;
	[tilespmem:v51+s21+$0x0] =	vst.idx.msk $0xffff, v50;
	v51 =	vld.idx.msk [tilespmem:v24+s17+$0x0], $0xffff  }
0x25d: {  	s29 =	smov.u32 s28;
	v43 =	vmov s13;
	s13 =	sadd.s32 $0x5, s28;
	v30 =	vor.u32 v2, v1;
	v1 =	vor.u32 v0, v1;
	[tilespmem:v20+s21+$0x0] =	vst.idx.msk $0xffff, v46;
	v46 =	vld.idx.msk [tilespmem:v22+s17+$0x0], $0xffff  }
0x25e: {  	s31 =	sadd.s32 $0x7, s29;
	v50 =	vmov s13;
	[tilespmem:v29+s21+$0x0] =	vst.idx.msk $0xffff, v39;
	v22 =	vor.u32 v0, v44;
	v4 =	vadd.s32 v4, v31;
	v31 =	vld.idx.msk [tilespmem:v49+s17+$0x0], $0xffff  }
0x25f: {  	v24 =	vmov s31;
	v3 =	vadd.s32 s26, v3;
	[tilespmem:v18+s21+$0x0] =	vst.idx.msk $0xffff, v48;
	v18 =	vmovc v38;
	v38 =	vshll.u32 v43, $0x5;
	v58 =	vld.idx.msk [tilespmem:v25+s17+$0x0], $0xffff  }
0x260: {  	[tilespmem:v19+s21+$0x0] =	vst.idx.msk $0xffff, v47;
	v48 =	vshll.u32 v24, $0x5;
	v56 =	vand.u32 $0x1F8, v24;
	v47 =	vshll.u32 v50, $0x5;
	v35 =	vld.idx.msk [tilespmem:v35+s17+$0x0], $0xffff  }
0x261: {  	s30 =	sadd.s32 $0x6, s28;
	v60 =	vld.idx.msk [tilespmem:v23+s17+$0x0], $0xffff;
	[tilespmem:v41+s21+$0x0] =	vst.idx.msk $0xffff, v5;
	v5 =	vand.u32 $0x1F8, v37;
	v41 =	vand.u32 $0x1F8, v40;
	v59 =	vor.u32 v0, v47  }
0x262: {  	v25 =	vmov s30;
	v20 =	vmovc v4;
	v57 =	vor.u32 v0, v48;
	v24 =	vor.u32 v0, v38;
	[tilespmem:v27+s21+$0x0] =	vst.idx.msk $0xffff, v51  }
0x263: {  	v4 =	vshll.u32 v37, $0x5;
	v61 =	vshll.u32 v25, $0x5;
	v29 =	vadd.s32 v8, v5;
	v1 =	vld.idx.msk [tilespmem:v1+s17+$0x0], $0xffff;
	[tilespmem:v21+s21+$0x0] =	vst.idx.msk $0xffff, v46  }
0x264: {  	v39 =	vor.u32 v0, v4;
	v23 =	vor.u32 v0, v61;
	[tilespmem:v33+s21+$0x0] =	vst.idx.msk $0xffff, v31;
	v31 =	vand.u32 $0x1F8, v25;
	v25 =	vld [tilespmem:$0x1FFE0]  }
0x265: {  	v21 =	vadd.s32 v10, v41;
	v63 =	vld.idx.msk [tilespmem:v32+s17+$0x0], $0xffff;
	[tilespmem:v28+s21+$0x0] =	vst.idx.msk $0xffff, v35;
	v35 =	vor.u32 v2, v4  }
0x266: {  	s1 =	sadd.s32 $0x4, s28;
	v19 =	vmov v42;
	v4 =	vand.u32 $0x1F8, v50;
	[tilespmem:v52+s21+$0x0] =	vst.idx.msk $0xffff, v60;
	v32 =	vor.u32 v2, v38;
	v50 =	vld.idx.msk [tilespmem:v59+s17+$0x0], $0xffff  }
0x267: {  	v49 =	vmov s1;
	v28 =	vadd.s32 v9, v5;
	v37 =	vadd.s32 v6, v31;
	v46 =	vld.idx.msk [tilespmem:v34+s17+$0x0], $0xffff;
	[tilespmem:v53+s21+$0x0] =	vst.idx.msk $0xffff, v58  }
0x268: {  	v42 =	vshll.u32 v49, $0x5;
	v51 =	vadd.s32 v16, v4;
	v40 =	vadd.s32 v17, v4;
	[tilespmem:v3+s21+$0x0] =	vst.idx.msk $0xffff, v1;
	v1 =	vld [tilespmem:$0x1FF00]  }
0x269: {  	p0 =	slt.u32 s28, $0x1F8;
	v34 =	vor.u32 v2, v61;
	v62 =	vadd.s32 v25, v56;
	v25 =	vor.u32 v2, v47;
	v47 =	vld.idx.msk [tilespmem:v57+s17+$0x0], $0xffff  }
.Ltmp11:
0x26a: {  	[tilespmem:v36+s21+$0x0] =	vst.idx.msk $0xffff, v45;
	v36 =	vand.u32 $0x1F8, v43;
	v57 =	vand.u32 $0x1F8, v49;
	v43 =	vor.u32 v2, v44;
	(pc) =	sbr.rel @p0 .LBB2_25-.Ltmp11, $4  }
0x26b: {  	v49 =	vor.u32 v0, v42;
	v45 =	vor.u32 v2, v48;
	v48 =	vld.idx.msk [tilespmem:v26+s17+$0x0], $0xffff;
	v26 =	vor.u32 v2, v42  }
0x26c: {  	[tilespmem:v55+s21+$0x0] =	vst.idx.msk $0xffff, v63;
	v42 =	vadd.s32 v11, v41;
	v27 =	vadd.s32 v12, v36  }
0x26d: {  	v39 =	vld.idx.msk [tilespmem:v39+s17+$0x0], $0xffff;
	v33 =	vadd.s32 v14, v57;
	v44 =	vadd.s32 v13, v36;
	v38 =	vadd.s32 v15, v57  }
0x26e: {  	s28 =	sadd.s32 $0x8, s28;
	v36 =	vadd.s32 v7, v56;
	v41 =	vadd.s32 s26, v1;
	s26 =	smov.u32 s29;
	[tilespmem:v62+s21+$0x0] =	vst.idx.msk $0xffff, v47;
	v47 =	vld.idx.msk [tilespmem:v54+s17+$0x0], $0xffff  }
0x26f: {  	_ =	sdelay $0x3  }
0x270: {  	[tilespmem:v51+s21+$0x0] =	vst.idx.msk $0xffff, v50;
	v3 =	vld.idx.msk [tilespmem:v49+s17+$0x0], $0xffff  }
0x271: {  	v4 =	vld.idx.msk [tilespmem:v24+s17+$0x0], $0xffff;
	[tilespmem:v20+s21+$0x0] =	vst.idx.msk $0xffff, v46  }
0x272: {  	[tilespmem:v18+s21+$0x0] =	vst.idx.msk $0xffff, v48  }
0x273: {  	[tilespmem:v29+s21+$0x0] =	vst.idx.msk $0xffff, v39  }
0x274: {  	[tilespmem:v19+s21+$0x0] =	vst.idx.msk $0xffff, v47  }
0x275: {  	v1 =	vmov s26;
	v5 =	vld.idx.msk [tilespmem:v30+s17+$0x0], $0xffff;
	[tilespmem:v33+s21+$0x0] =	vst.idx.msk $0xffff, v3  }
0x276: {  	v56 =	vld.idx.msk [tilespmem:v45+s17+$0x0], $0xffff;
	v1 =	vshll.u32 v1, $0x5;
	[tilespmem:v27+s21+$0x0] =	vst.idx.msk $0xffff, v4  }
0x277: {  	v55 =	vor.u32 v0, v1;
	v4 =	vld [tilespmem:$0x1FF10]  }
0x278: {  	v57 =	vld.idx.msk [tilespmem:v23+s17+$0x0], $0xffff  }
0x279: {  	v22 =	vld.idx.msk [tilespmem:v22+s17+$0x0], $0xffff  }
0x27a: {  	v59 =	vld.idx.msk [tilespmem:v25+s17+$0x0], $0xffff  }
0x27b: {  	v3 =	vld.idx.msk [tilespmem:v35+s17+$0x0], $0xffff;
	[tilespmem:v41+s21+$0x0] =	vst.idx.msk $0xffff, v5  }
0x27c: {  	[tilespmem:v36+s21+$0x0] =	vst.idx.msk $0xffff, v56;
	v58 =	vld.idx.msk [tilespmem:v55+s17+$0x0], $0xffff;
	v4 =	vadd.s32 s26, v4  }
0x27d: {  	[tilespmem:v37+s21+$0x0] =	vst.idx.msk $0xffff, v57  }
0x27e: {  	v6 =	vld [tilespmem:$0x1FFD0];
	[tilespmem:v21+s21+$0x0] =	vst.idx.msk $0xffff, v22  }
0x27f: {  	[tilespmem:v40+s21+$0x0] =	vst.idx.msk $0xffff, v59  }
0x280: {  	[tilespmem:v28+s21+$0x0] =	vst.idx.msk $0xffff, v3  }
0x281: {  	[tilespmem:v4+s21+$0x0] =	vst.idx.msk $0xffff, v58  }
0x282: {  	v1 =	vor.u32 v2, v1;
	v5 =	vld [tilespmem:$0x1FF00]  }
0x283: {  	v60 =	vld.idx.msk [tilespmem:v32+s17+$0x0], $0xffff  }
0x284: {  	v62 =	vld.idx.msk [tilespmem:v34+s17+$0x0], $0xffff;
	v61 =	vadd.s32 v6, v31  }
0x285: {  	v3 =	vld.idx.msk [tilespmem:v26+s17+$0x0], $0xffff  }
0x286: {  	v22 =	vld.idx.msk [tilespmem:v43+s17+$0x0], $0xffff  }
0x287: {  	v1 =	vld.idx.msk [tilespmem:v1+s17+$0x0], $0xffff;
	v63 =	vadd.s32 s26, v5  }
0x288: {  	[tilespmem:v44+s21+$0x0] =	vst.idx.msk $0xffff, v60  }
0x289: {  	[tilespmem:v61+s21+$0x0] =	vst.idx.msk $0xffff, v62  }
0x28a: {  	[tilespmem:v38+s21+$0x0] =	vst.idx.msk $0xffff, v3  }
0x28b: {  	s0 =	simm.s32 $0x800;
	[tilespmem:v42+s21+$0x0] =	vst.idx.msk $0xffff, v22  }
0x28c: {  	s28 =	sadd.s32 $0x0, s10;
	s1 =	simm.s32 $0x12708;
	s26 =	simm.s32 $0x12500;
	[tilespmem:v63+s21+$0x0] =	vst.idx.msk $0xffff, v1  }
.LBB2_27:
0x28d: {  	[hbm4b:s28+s2] =	stream.linear.scatter [tilespmem:s26], [sflag:$0x4], $0x200, $0x38;
	[tilespmem:$0x16600] =	vst v63  }
0x28e: {  	s13 =	smov.u32 s0;
	s26 =	smov.u32 s1;
	p0 =	sne.s32 s0, $0xF800  }
.Ltmp12:
0x28f: {  	s0 =	sadd.s32 $0x800, s0;
	(pc) =	sbr.rel @p0 .LBB2_27-.Ltmp12, $2  }
0x290: {  	_ =	sdelay $0x2  }
0x291: {  	s1 =	sadd.s32 $0x208, s1;
	s28 =	sadd.s32 s13, s10  }
0x292: {  	[hbm4b:s28+s2] =	stream.linear.scatter [tilespmem:s26], [sflag:$0x4], $0x200, $0x38;
	[tilespmem:$0x16600] =	vst v63  }
0x293: {  	_ =	swait.ge [sflag:s22], $0x4000  }
0x294: {  	[sflag:s22] =	ssyncset.done $0x0  }
0x295: {  	[sflag:s22] =	ssyncadd.s32 $0xFFFFC000  }
0x296: {  	_ =	swait.ge [sflag:s23], $0x4000  }
0x297: {  	v1 =	vld [tilespmem:$0x1FF10]  }
0x298: {  	v8 =	vld [tilespmem:$0x1FF20]  }
0x299: {  	v9 =	vld [tilespmem:$0x1FF30]  }
0x29a: {  	v10 =	vld [tilespmem:$0x1FF40]  }
0x29b: {  	v11 =	vld [tilespmem:$0x1FF50]  }
0x29c: {  	v12 =	vld [tilespmem:$0x1FF60]  }
0x29d: {  	v13 =	vld [tilespmem:$0x1FF70]  }
0x29e: {  	v14 =	vld [tilespmem:$0x1FF80]  }
0x29f: {  	s25 =	sadd.s32 $0x1, s25;
	v15 =	vld [tilespmem:$0x1FF90]  }
0x2a0: {  	p0 =	sne.s32 s25, s11;
	v16 =	vld [tilespmem:$0x1FFA0]  }
.Ltmp13:
0x2a1: {  	v17 =	vld [tilespmem:$0x1FFB0];
	(pc) =	sbr.rel @p0 .LBB2_1-.Ltmp13, $4  }
0x2a2: {  	v6 =	vld [tilespmem:$0x1FFC0]  }
0x2a3: {  	v5 =	vld [tilespmem:$0x1FFD0]  }
0x2a4: {  	[sflag:s23] =	ssyncset.done $0x0;
	v3 =	vld [tilespmem:$0x1FFE0]  }
0x2a5: {  	v4 =	vld [tilespmem:$0x1FFF0];
	[sflag:s23] =	ssyncadd.s32 $0xFFFFC000  }
0x2a6: {  	_ =	sfence.sel $0x180000  }
0x2a7: {  	[bflag:$0x0] =	sbarrier.arrive $0xFFFF  }
0x2a8: {  	_ =	strace $0x90000047  }
0x2a9: {  	s0 =	stileid.u32;
	[bflag:$0x2] =	sbarrier.arrive $0xFFFF  }
0x2aa: {  	p0 =	sne.s32 s0, $0x0;
	s0 =	rddreg [dreg:$0x2]  }
0x2ab: {  	s0 =	sadd.s32 @!p0 $0x100000, s0  }
0x2ac: {  	[sflag:s0] =	ssyncadd.tile.s32 @!p0 $0x1;
	_ =	shalt  }
.Lfunc_end2:
_tile_overlayer_lowered:
.L_overlay_start_2:
0x2ad: {  	(tag) =	ssettag $0x2  }
0x2ae: {  	s0 =	rddreg [dreg:$0x0];
	s2 =	stileid.u32  }
0x2af: {  	s1 =	rddreg [dreg:$0x1];
	p0 =	sne.s32 s2, $0x0  }
0x2b0: {  	s3 =	rddreg [dreg:$0x2];
	[bflag:$0x3] =	sbarrier.arrive $0xFFFF;
	s2 =	simm.s32 @!p0 $0x1C05  }
0x2b1: {  	[timem:s3], [sflag:s2] =	dma.local @!p0 [hbm:s0], s1  }
0x2b2: {  	s0 =	simm.s32 @!p0 $0x5  }
0x2b3: {  	_ =	swait.ge @!p0 [sflag:s0], s1  }
0x2b4: {  	s1 =	ssub.s32 @!p0 $0x0, s1;
	[sflag:s0] =	ssyncset.done @!p0 $0x0  }
0x2b5: {  	[sflag:s0] =	ssyncadd.s32 @!p0 s1  }
0x2b6: {  	[bflag:$0x3] =	sbarrier.arrive $0xFFFF  }
0x2b7: {  	_ =	shalt  }

</sc_bundles>
